<compile_context>
chip_gen: v7x
topology: tpu7x:2x2x1
jax: 0.10.2.dev20260603
libtpu: 0.0.44.dev20260713+nightly
codegen_flags: <defaults>
</compile_context>

<pallas_src>
import jax
import jax.numpy as jnp
from jax import lax
from jax.experimental import pallas as pl
from jax.experimental.pallas import tpu as pltpu
from jax.experimental.pallas import tpu_sc as plsc

N_I = 16384
N_J = 50
DIM = 64
IB = 128
KB = DIM // 8
NCH = N_J * (N_I // IB)
NC, NS = 2, 16
NW = NC * NS
PER_W = NCH // NW
NBUF = 4
OUT_ROWS = NCH * DIM
OPAD = 129


def _body(idx_hbm, table_hbm, out_hbm, idx_v, rows_v, outv, gsem, wsem):
    wid = lax.axis_index("s") * NC + lax.axis_index("c")

    pltpu.sync_copy(idx_hbm.at[wid], idx_v)

    lanes = lax.iota(jnp.int32, 16)
    k_sets = [k0 * 16 + lanes for k0 in range(4)]

    def gather(t, b):
        pltpu.async_copy(table_hbm.at[idx_v.at[t]], rows_v.at[b],
                         gsem.at[b])

    def wait_gather(b):
        pltpu.make_async_copy(
            table_hbm.at[pl.ds(0, IB)], rows_v.at[b], gsem.at[b]).wait()

    def transpose(b):
        @pl.loop(0, IB, unroll=8)
        def _row(di):
            dv = jnp.full((16,), 0, jnp.int32) + di
            for g in range(4):
                v = rows_v[b, di, pl.ds(g * 16, 16)]
                plsc.store_scatter(outv.at[b], [k_sets[g], dv], v)

    def write(t, b):
        cg = wid * PER_W + t
        j = cg // IB
        ib = cg % IB
        for kb in range(KB):
            m0 = (j * KB + kb) * 1024 + ib * 8
            pltpu.async_copy(
                outv.at[b, pl.ds(kb * 8, 8), pl.ds(0, 128)],
                out_hbm.at[pl.ds(m0, 8)], wsem.at[b])

    def wait_write(b):
        pltpu.make_async_copy(
            outv.at[b, :, pl.ds(0, 128)],
            out_hbm.at[pl.ds(0, 64)], wsem.at[b]).wait()

    for b in range(NBUF):
        gather(b, b)

    @pl.loop(0, PER_W)
    def _visit(t):
        b = lax.rem(t, NBUF)
        wait_gather(b)

        @pl.when(t >= NBUF)
        def _():
            wait_write(b)

        transpose(b)

        @pl.when(t + NBUF < PER_W)
        def _():
            gather(t + NBUF, b)

        write(t, b)

    for b in range(NBUF):
        wait_write(b)


def kernel(data, ivectors_weight):
    idx = jnp.transpose(data.astype(jnp.int32)).reshape(NW, PER_W, IB)
    mesh = plsc.VectorSubcoreMesh(core_axis_name="c", subcore_axis_name="s")
    out_flat = pl.kernel(
        _body,
        out_type=jax.ShapeDtypeStruct((OUT_ROWS, 128), jnp.float32),
        mesh=mesh,
        scratch_types=[
            pltpu.VMEM((PER_W, IB), jnp.int32),
            pltpu.VMEM((NBUF, IB, DIM), jnp.float32),
            pltpu.VMEM((NBUF, DIM, OPAD), jnp.float32),
            pltpu.SemaphoreType.DMA((NBUF,)),
            pltpu.SemaphoreType.DMA((NBUF,)),
        ],
        compiler_params=pltpu.CompilerParams(
            use_tc_tiling_on_sc=False, needs_layout_passes=False),
    )(idx, ivectors_weight)
    out5 = out_flat.reshape(N_J, KB, IB, 8, 128)
    return out5.transpose(2, 4, 0, 1, 3).reshape(N_I, N_J, DIM)

# --- scband reference (transcript-rebuilt; emitter-appended) ---
"""Pipeline reference for scband-word2-vec-17746804867326 (READ-ONLY COPY).

The authoritative reference and input builder live on the scoring server;
editing this copy changes nothing except your own understanding.
"""

import jax, jax.numpy as jnp
import numpy as np

VOCAB_SIZE = 1000000
EMBED_DIM = 64

def setup_inputs(seed: int = 0) -> dict:
    key = jax.random.key(seed)
    k_idx, k_iw = jax.random.split(key, 2)
    data = jax.random.randint(k_idx, (16384, 50), 0, VOCAB_SIZE, dtype=jnp.int64 if jax.config.jax_enable_x64 else jnp.int32)
    bound = 0.5 / EMBED_DIM
    body = jax.random.uniform(k_iw, (VOCAB_SIZE, EMBED_DIM), minval=-bound, maxval=bound, dtype=jnp.float32)
    ivectors_weight = jnp.concatenate([jnp.zeros((1, EMBED_DIM), dtype=jnp.float32), body], axis=0)
    return {"data": data, "ivectors_weight": ivectors_weight}

def reference(data, ivectors_weight):
    # Word2Vec.forward -> forward_i -> ivectors(data): plain embedding lookup
    return jnp.take(ivectors_weight, data, axis=0)

if __name__ == "__main__":
    import jax
    _d = setup_inputs()
    print(jax.jit(kernel)(*tuple(_d.values())))

</pallas_src>

<mosaic_0001>
#map = affine_map<(d0, d1) -> (0, 0, 0)>
#map1 = affine_map<(d0, d1) -> (0, 0)>
module attributes {stable_mosaic.version = 14 : i64} {
  func.func @_body(%arg0: i32, %arg1: i32, %arg2: memref<32x200x128xi32, #tpu.memory_space<hbm>>, %arg3: memref<1000001x64xf32, #tpu.memory_space<hbm>>, %arg4: memref<409600x128xf32, #tpu.memory_space<hbm>>, %arg5: memref<200x128xi32, #tpu.memory_space<vmem>>, %arg6: memref<4x128x64xf32, #tpu.memory_space<vmem>>, %arg7: memref<4x64x129xf32, #tpu.memory_space<vmem>>, %arg8: memref<4x!tpu.dma_semaphore, #tpu.memory_space<semaphore_mem>>, %arg9: memref<4x!tpu.dma_semaphore, #tpu.memory_space<semaphore_mem>>) attributes {dimension_semantics = [#tpu.dimension_semantics<core_parallel>, #tpu.dimension_semantics<subcore_parallel>], iteration_bounds = array<i64: 2, 16>, scalar_prefetch = 0 : i64, scratch_operands = 5 : i64, tpu.core_type = #tpu.core_type<sc_vector_subcore>, window_params = [{transform_indices = #map}, {transform_indices = #map1}, {transform_indices = #map1}]} {
    %mul3A = arith.constant 2 : i32
    %mul3A_0 = arith.muli %arg1, %mul3A : i32
    %add3A = arith.addi %mul3A_0, %arg0 : i32
    "tpu.region"() ({
      %run_scoped3A = tpu.sem_alloc : memref<!tpu.dma_semaphore, #tpu.memory_space<semaphore_mem>>
      %dma_start3A_147 = arith.constant 0 : i32
      %dma_start3A_148 = arith.constant 0 : i32
      %dma_start3A_149 = tpu.memref_slice %arg2[%add3A, %dma_start3A_147, %dma_start3A_148] : memref<32x200x128xi32, #tpu.memory_space<hbm>> -> memref<1x200x128xi32, #tpu.memory_space<hbm>>
      %dma_start3A_150 = tpu.memref_squeeze %dma_start3A_149 : memref<1x200x128xi32, #tpu.memory_space<hbm>> -> memref<200x128xi32, #tpu.memory_space<hbm>>
      %dma_start3A_151 = arith.constant 0 : i32
      %dma_start3A_152 = arith.constant 0 : i32
      %dma_start3A_153 = tpu.memref_slice %arg2[%add3A, %dma_start3A_151, %dma_start3A_152] : memref<32x200x128xi32, #tpu.memory_space<hbm>> -> memref<1x200x128xi32, #tpu.memory_space<hbm>>
      %dma_start3A_154 = tpu.memref_squeeze %dma_start3A_153 : memref<1x200x128xi32, #tpu.memory_space<hbm>> -> memref<200x128xi32, #tpu.memory_space<hbm>>
      tpu.enqueue_dma source(%dma_start3A_154 : memref<200x128xi32, #tpu.memory_space<hbm>>) target(%arg5 : memref<200x128xi32, #tpu.memory_space<vmem>>) target_semaphore(%run_scoped3A : memref<!tpu.dma_semaphore, #tpu.memory_space<semaphore_mem>>)
      %dma_wait3A_155 = arith.constant 0 : i32
      %dma_wait3A_156 = arith.constant 0 : i32
      %dma_wait3A_157 = tpu.memref_slice %arg2[%add3A, %dma_wait3A_155, %dma_wait3A_156] : memref<32x200x128xi32, #tpu.memory_space<hbm>> -> memref<1x200x128xi32, #tpu.memory_space<hbm>>
      %dma_wait3A_158 = tpu.memref_squeeze %dma_wait3A_157 : memref<1x200x128xi32, #tpu.memory_space<hbm>> -> memref<200x128xi32, #tpu.memory_space<hbm>>
      %dma_wait3A_159 = arith.constant 0 : i32
      %dma_wait3A_160 = arith.constant 0 : i32
      %dma_wait3A_161 = tpu.memref_slice %arg2[%add3A, %dma_wait3A_159, %dma_wait3A_160] : memref<32x200x128xi32, #tpu.memory_space<hbm>> -> memref<1x200x128xi32, #tpu.memory_space<hbm>>
      %dma_wait3A_162 = tpu.memref_squeeze %dma_wait3A_161 : memref<1x200x128xi32, #tpu.memory_space<hbm>> -> memref<200x128xi32, #tpu.memory_space<hbm>>
      tpu.wait_dma2 semaphore(%run_scoped3A : memref<!tpu.dma_semaphore, #tpu.memory_space<semaphore_mem>>) src(%dma_wait3A_162 : memref<200x128xi32, #tpu.memory_space<hbm>>) dst(%arg5 : memref<200x128xi32, #tpu.memory_space<vmem>>)
      tpu.yield
    }) : () -> ()
    %iota3A = tpu.iota {dimensions = array<i32: 0>} : vector<16xi32>
    %add3A_1 = arith.constant 0 : i32
    %add3A_2 = vector.broadcast %add3A_1 : i32 to vector<16xi32>
    %add3A_3 = arith.addi %add3A_2, %iota3A : vector<16xi32>
    %add3A_4 = arith.constant 16 : i32
    %add3A_5 = vector.broadcast %add3A_4 : i32 to vector<16xi32>
    %add3A_6 = arith.addi %add3A_5, %iota3A : vector<16xi32>
    %add3A_7 = arith.constant 32 : i32
    %add3A_8 = vector.broadcast %add3A_7 : i32 to vector<16xi32>
    %add3A_9 = arith.addi %add3A_8, %iota3A : vector<16xi32>
    %add3A_10 = arith.constant 48 : i32
    %add3A_11 = vector.broadcast %add3A_10 : i32 to vector<16xi32>
    %add3A_12 = arith.addi %add3A_11, %iota3A : vector<16xi32>
    %dma_start3A = arith.constant 0 : i32
    %dma_start3A_13 = arith.constant 0 : i32
    %dma_start3A_14 = arith.constant 0 : i32
    %dma_start3A_15 = arith.constant 0 : i32
    %dma_start3A_16 = arith.constant 0 : i32
    %dma_start3A_17 = tpu.memref_slice %arg6[%dma_start3A_13, %dma_start3A_15, %dma_start3A_16] : memref<4x128x64xf32, #tpu.memory_space<vmem>> -> memref<1x128x64xf32, #tpu.memory_space<vmem>>
    %dma_start3A_18 = tpu.memref_squeeze %dma_start3A_17 : memref<1x128x64xf32, #tpu.memory_space<vmem>> -> memref<128x64xf32, #tpu.memory_space<vmem>>
    %dma_start3A_19 = arith.constant 0 : i32
    %dma_start3A_20 = tpu.memref_slice %arg5[%dma_start3A, %dma_start3A_19] : memref<200x128xi32, #tpu.memory_space<vmem>> -> memref<1x128xi32, #tpu.memory_space<vmem>>
    %dma_start3A_21 = tpu.memref_squeeze %dma_start3A_20 : memref<1x128xi32, #tpu.memory_space<vmem>> -> memref<128xi32, #tpu.memory_space<vmem>>
    %dma_start3A_22 = arith.constant 0 : i32
    %dma_start3A_23 = arith.constant 0 : i32
    %dma_start3A_24 = tpu.memref_slice %arg3[%dma_start3A_22, %dma_start3A_23] : memref<1000001x64xf32, #tpu.memory_space<hbm>> -> memref<1000001x64xf32, #tpu.memory_space<hbm>>
    %dma_start3A_25 = tpu.memref_slice %arg8[%dma_start3A_14] : memref<4x!tpu.dma_semaphore, #tpu.memory_space<semaphore_mem>> -> memref<1x!tpu.dma_semaphore, #tpu.memory_space<semaphore_mem>>
    %dma_start3A_26 = tpu.memref_squeeze %dma_start3A_25 : memref<1x!tpu.dma_semaphore, #tpu.memory_space<semaphore_mem>> -> memref<!tpu.dma_semaphore, #tpu.memory_space<semaphore_mem>>
    tpu.enqueue_indirect_dma source(%dma_start3A_24 : memref<1000001x64xf32, #tpu.memory_space<hbm>>) target(%dma_start3A_18 : memref<128x64xf32, #tpu.memory_space<vmem>>) offsets(%dma_start3A_21 : memref<128xi32, #tpu.memory_space<vmem>>) semaphore(%dma_start3A_26 : memref<!tpu.dma_semaphore, #tpu.memory_space<semaphore_mem>>)
    %dma_start3A_27 = arith.constant 1 : i32
    %dma_start3A_28 = arith.constant 1 : i32
    %dma_start3A_29 = arith.constant 1 : i32
    %dma_start3A_30 = arith.constant 0 : i32
    %dma_start3A_31 = arith.constant 0 : i32
    %dma_start3A_32 = tpu.memref_slice %arg6[%dma_start3A_28, %dma_start3A_30, %dma_start3A_31] : memref<4x128x64xf32, #tpu.memory_space<vmem>> -> memref<1x128x64xf32, #tpu.memory_space<vmem>>
    %dma_start3A_33 = tpu.memref_squeeze %dma_start3A_32 : memref<1x128x64xf32, #tpu.memory_space<vmem>> -> memref<128x64xf32, #tpu.memory_space<vmem>>
    %dma_start3A_34 = arith.constant 0 : i32
    %dma_start3A_35 = tpu.memref_slice %arg5[%dma_start3A_27, %dma_start3A_34] : memref<200x128xi32, #tpu.memory_space<vmem>> -> memref<1x128xi32, #tpu.memory_space<vmem>>
    %dma_start3A_36 = tpu.memref_squeeze %dma_start3A_35 : memref<1x128xi32, #tpu.memory_space<vmem>> -> memref<128xi32, #tpu.memory_space<vmem>>
    %dma_start3A_37 = arith.constant 0 : i32
    %dma_start3A_38 = arith.constant 0 : i32
    %dma_start3A_39 = tpu.memref_slice %arg3[%dma_start3A_37, %dma_start3A_38] : memref<1000001x64xf32, #tpu.memory_space<hbm>> -> memref<1000001x64xf32, #tpu.memory_space<hbm>>
    %dma_start3A_40 = tpu.memref_slice %arg8[%dma_start3A_29] : memref<4x!tpu.dma_semaphore, #tpu.memory_space<semaphore_mem>> -> memref<1x!tpu.dma_semaphore, #tpu.memory_space<semaphore_mem>>
    %dma_start3A_41 = tpu.memref_squeeze %dma_start3A_40 : memref<1x!tpu.dma_semaphore, #tpu.memory_space<semaphore_mem>> -> memref<!tpu.dma_semaphore, #tpu.memory_space<semaphore_mem>>
    tpu.enqueue_indirect_dma source(%dma_start3A_39 : memref<1000001x64xf32, #tpu.memory_space<hbm>>) target(%dma_start3A_33 : memref<128x64xf32, #tpu.memory_space<vmem>>) offsets(%dma_start3A_36 : memref<128xi32, #tpu.memory_space<vmem>>) semaphore(%dma_start3A_41 : memref<!tpu.dma_semaphore, #tpu.memory_space<semaphore_mem>>)
    %dma_start3A_42 = arith.constant 2 : i32
    %dma_start3A_43 = arith.constant 2 : i32
    %dma_start3A_44 = arith.constant 2 : i32
    %dma_start3A_45 = arith.constant 0 : i32
    %dma_start3A_46 = arith.constant 0 : i32
    %dma_start3A_47 = tpu.memref_slice %arg6[%dma_start3A_43, %dma_start3A_45, %dma_start3A_46] : memref<4x128x64xf32, #tpu.memory_space<vmem>> -> memref<1x128x64xf32, #tpu.memory_space<vmem>>
    %dma_start3A_48 = tpu.memref_squeeze %dma_start3A_47 : memref<1x128x64xf32, #tpu.memory_space<vmem>> -> memref<128x64xf32, #tpu.memory_space<vmem>>
    %dma_start3A_49 = arith.constant 0 : i32
    %dma_start3A_50 = tpu.memref_slice %arg5[%dma_start3A_42, %dma_start3A_49] : memref<200x128xi32, #tpu.memory_space<vmem>> -> memref<1x128xi32, #tpu.memory_space<vmem>>
    %dma_start3A_51 = tpu.memref_squeeze %dma_start3A_50 : memref<1x128xi32, #tpu.memory_space<vmem>> -> memref<128xi32, #tpu.memory_space<vmem>>
    %dma_start3A_52 = arith.constant 0 : i32
    %dma_start3A_53 = arith.constant 0 : i32
    %dma_start3A_54 = tpu.memref_slice %arg3[%dma_start3A_52, %dma_start3A_53] : memref<1000001x64xf32, #tpu.memory_space<hbm>> -> memref<1000001x64xf32, #tpu.memory_space<hbm>>
    %dma_start3A_55 = tpu.memref_slice %arg8[%dma_start3A_44] : memref<4x!tpu.dma_semaphore, #tpu.memory_space<semaphore_mem>> -> memref<1x!tpu.dma_semaphore, #tpu.memory_space<semaphore_mem>>
    %dma_start3A_56 = tpu.memref_squeeze %dma_start3A_55 : memref<1x!tpu.dma_semaphore, #tpu.memory_space<semaphore_mem>> -> memref<!tpu.dma_semaphore, #tpu.memory_space<semaphore_mem>>
    tpu.enqueue_indirect_dma source(%dma_start3A_54 : memref<1000001x64xf32, #tpu.memory_space<hbm>>) target(%dma_start3A_48 : memref<128x64xf32, #tpu.memory_space<vmem>>) offsets(%dma_start3A_51 : memref<128xi32, #tpu.memory_space<vmem>>) semaphore(%dma_start3A_56 : memref<!tpu.dma_semaphore, #tpu.memory_space<semaphore_mem>>)
    %dma_start3A_57 = arith.constant 3 : i32
    %dma_start3A_58 = arith.constant 3 : i32
    %dma_start3A_59 = arith.constant 3 : i32
    %dma_start3A_60 = arith.constant 0 : i32
    %dma_start3A_61 = arith.constant 0 : i32
    %dma_start3A_62 = tpu.memref_slice %arg6[%dma_start3A_58, %dma_start3A_60, %dma_start3A_61] : memref<4x128x64xf32, #tpu.memory_space<vmem>> -> memref<1x128x64xf32, #tpu.memory_space<vmem>>
    %dma_start3A_63 = tpu.memref_squeeze %dma_start3A_62 : memref<1x128x64xf32, #tpu.memory_space<vmem>> -> memref<128x64xf32, #tpu.memory_space<vmem>>
    %dma_start3A_64 = arith.constant 0 : i32
    %dma_start3A_65 = tpu.memref_slice %arg5[%dma_start3A_57, %dma_start3A_64] : memref<200x128xi32, #tpu.memory_space<vmem>> -> memref<1x128xi32, #tpu.memory_space<vmem>>
    %dma_start3A_66 = tpu.memref_squeeze %dma_start3A_65 : memref<1x128xi32, #tpu.memory_space<vmem>> -> memref<128xi32, #tpu.memory_space<vmem>>
    %dma_start3A_67 = arith.constant 0 : i32
    %dma_start3A_68 = arith.constant 0 : i32
    %dma_start3A_69 = tpu.memref_slice %arg3[%dma_start3A_67, %dma_start3A_68] : memref<1000001x64xf32, #tpu.memory_space<hbm>> -> memref<1000001x64xf32, #tpu.memory_space<hbm>>
    %dma_start3A_70 = tpu.memref_slice %arg8[%dma_start3A_59] : memref<4x!tpu.dma_semaphore, #tpu.memory_space<semaphore_mem>> -> memref<1x!tpu.dma_semaphore, #tpu.memory_space<semaphore_mem>>
    %dma_start3A_71 = tpu.memref_squeeze %dma_start3A_70 : memref<1x!tpu.dma_semaphore, #tpu.memory_space<semaphore_mem>> -> memref<!tpu.dma_semaphore, #tpu.memory_space<semaphore_mem>>
    tpu.enqueue_indirect_dma source(%dma_start3A_69 : memref<1000001x64xf32, #tpu.memory_space<hbm>>) target(%dma_start3A_63 : memref<128x64xf32, #tpu.memory_space<vmem>>) offsets(%dma_start3A_66 : memref<128xi32, #tpu.memory_space<vmem>>) semaphore(%dma_start3A_71 : memref<!tpu.dma_semaphore, #tpu.memory_space<semaphore_mem>>)
    %scan3A = arith.constant 0 : i32
    %scan3A_72 = arith.constant 200 : i32
    %scan3A_73 = arith.addi %scan3A, %scan3A_72 : i32
    %scan3A_74 = arith.constant 1 : i32
    scf.for %scan3A_147 = %scan3A to %scan3A_73 step %scan3A_74  : i32 {
      %mul3A_148 = arith.constant 1 : i32
      %mul3A_149 = arith.muli %scan3A_147, %mul3A_148 : i32
      %add3A_150 = arith.constant 0 : i32
      %add3A_151 = arith.addi %add3A_150, %mul3A_149 : i32
      %rem3A = arith.constant 4 : i32
      %rem3A_152 = arith.remsi %add3A_151, %rem3A : i32
      %dma_wait3A_153 = arith.constant 0 : i32
      %dma_wait3A_154 = arith.constant 0 : i32
      %dma_wait3A_155 = tpu.memref_slice %arg6[%rem3A_152, %dma_wait3A_153, %dma_wait3A_154] : memref<4x128x64xf32, #tpu.memory_space<vmem>> -> memref<1x128x64xf32, #tpu.memory_space<vmem>>
      %dma_wait3A_156 = tpu.memref_squeeze %dma_wait3A_155 : memref<1x128x64xf32, #tpu.memory_space<vmem>> -> memref<128x64xf32, #tpu.memory_space<vmem>>
      %dma_wait3A_157 = arith.constant 0 : i32
      %dma_wait3A_158 = arith.constant 0 : i32
      %dma_wait3A_159 = tpu.memref_slice %arg3[%dma_wait3A_157, %dma_wait3A_158] : memref<1000001x64xf32, #tpu.memory_space<hbm>> -> memref<128x64xf32, #tpu.memory_space<hbm>>
      %dma_wait3A_160 = tpu.memref_slice %arg8[%rem3A_152] : memref<4x!tpu.dma_semaphore, #tpu.memory_space<semaphore_mem>> -> memref<1x!tpu.dma_semaphore, #tpu.memory_space<semaphore_mem>>
      %dma_wait3A_161 = tpu.memref_squeeze %dma_wait3A_160 : memref<1x!tpu.dma_semaphore, #tpu.memory_space<semaphore_mem>> -> memref<!tpu.dma_semaphore, #tpu.memory_space<semaphore_mem>>
      %dma_wait3A_162 = arith.constant 0 : i32
      %dma_wait3A_163 = arith.constant 0 : i32
      %dma_wait3A_164 = tpu.memref_slice %arg6[%rem3A_152, %dma_wait3A_162, %dma_wait3A_163] : memref<4x128x64xf32, #tpu.memory_space<vmem>> -> memref<1x128x64xf32, #tpu.memory_space<vmem>>
      %dma_wait3A_165 = tpu.memref_squeeze %dma_wait3A_164 : memref<1x128x64xf32, #tpu.memory_space<vmem>> -> memref<128x64xf32, #tpu.memory_space<vmem>>
      %dma_wait3A_166 = arith.constant 0 : i32
      %dma_wait3A_167 = arith.constant 0 : i32
      %dma_wait3A_168 = tpu.memref_slice %arg3[%dma_wait3A_166, %dma_wait3A_167] : memref<1000001x64xf32, #tpu.memory_space<hbm>> -> memref<128x64xf32, #tpu.memory_space<hbm>>
      tpu.wait_dma2 semaphore(%dma_wait3A_161 : memref<!tpu.dma_semaphore, #tpu.memory_space<semaphore_mem>>) src(%dma_wait3A_168 : memref<128x64xf32, #tpu.memory_space<hbm>>) dst(%dma_wait3A_165 : memref<128x64xf32, #tpu.memory_space<vmem>>)
      %ge3A = arith.constant 4 : i32
      %ge3A_169 = arith.cmpi sge, %add3A_151, %ge3A : i32
      %convert_element_type3A = arith.extui %ge3A_169 : i1 to i32
      %cond3A = arith.constant 0 : i32
      %cond3A_170 = arith.cmpi ne, %convert_element_type3A, %cond3A : i32
      scf.if %cond3A_170 {
        %dma_wait3A_401 = arith.constant 0 : i32
        %dma_wait3A_402 = arith.constant 0 : i32
        %dma_wait3A_403 = tpu.memref_slice %arg7[%rem3A_152, %dma_wait3A_401, %dma_wait3A_402] : memref<4x64x129xf32, #tpu.memory_space<vmem>> -> memref<1x64x128xf32, #tpu.memory_space<vmem>>
        %dma_wait3A_404 = tpu.memref_squeeze %dma_wait3A_403 : memref<1x64x128xf32, #tpu.memory_space<vmem>> -> memref<64x128xf32, #tpu.memory_space<vmem>>
        %dma_wait3A_405 = arith.constant 0 : i32
        %dma_wait3A_406 = arith.constant 0 : i32
        %dma_wait3A_407 = tpu.memref_slice %arg4[%dma_wait3A_405, %dma_wait3A_406] : memref<409600x128xf32, #tpu.memory_space<hbm>> -> memref<64x128xf32, #tpu.memory_space<hbm>>
        %dma_wait3A_408 = tpu.memref_slice %arg9[%rem3A_152] : memref<4x!tpu.dma_semaphore, #tpu.memory_space<semaphore_mem>> -> memref<1x!tpu.dma_semaphore, #tpu.memory_space<semaphore_mem>>
        %dma_wait3A_409 = tpu.memref_squeeze %dma_wait3A_408 : memref<1x!tpu.dma_semaphore, #tpu.memory_space<semaphore_mem>> -> memref<!tpu.dma_semaphore, #tpu.memory_space<semaphore_mem>>
        %dma_wait3A_410 = arith.constant 0 : i32
        %dma_wait3A_411 = arith.constant 0 : i32
        %dma_wait3A_412 = tpu.memref_slice %arg4[%dma_wait3A_410, %dma_wait3A_411] : memref<409600x128xf32, #tpu.memory_space<hbm>> -> memref<64x128xf32, #tpu.memory_space<hbm>>
        %dma_wait3A_413 = arith.constant 0 : i32
        %dma_wait3A_414 = arith.constant 0 : i32
        %dma_wait3A_415 = tpu.memref_slice %arg7[%rem3A_152, %dma_wait3A_413, %dma_wait3A_414] : memref<4x64x129xf32, #tpu.memory_space<vmem>> -> memref<1x64x128xf32, #tpu.memory_space<vmem>>
        %dma_wait3A_416 = tpu.memref_squeeze %dma_wait3A_415 : memref<1x64x128xf32, #tpu.memory_space<vmem>> -> memref<64x128xf32, #tpu.memory_space<vmem>>
        tpu.wait_dma2 semaphore(%dma_wait3A_409 : memref<!tpu.dma_semaphore, #tpu.memory_space<semaphore_mem>>) src(%dma_wait3A_416 : memref<64x128xf32, #tpu.memory_space<vmem>>) dst(%dma_wait3A_412 : memref<64x128xf32, #tpu.memory_space<hbm>>)
      } else {
      }
      %scan3A_171 = arith.constant 0 : i32
      %scan3A_172 = arith.constant 128 : i32
      %scan3A_173 = arith.addi %scan3A_171, %scan3A_172 : i32
      %scan3A_174 = arith.constant 8 : i32
      scf.for %scan3A_401 = %scan3A_171 to %scan3A_173 step %scan3A_174  : i32 {
        %mul3A_402 = arith.constant 1 : i32
        %mul3A_403 = arith.muli %scan3A_401, %mul3A_402 : i32
        %add3A_404 = arith.constant 0 : i32
        %add3A_405 = arith.addi %add3A_404, %mul3A_403 : i32
        %broadcast_in_dim3A = arith.constant 0 : i32
        %broadcast_in_dim3A_406 = vector.broadcast %broadcast_in_dim3A : i32 to vector<16xi32>
        %add3A_407 = vector.broadcast %add3A_405 : i32 to vector<16xi32>
        %add3A_408 = arith.addi %broadcast_in_dim3A_406, %add3A_407 : vector<16xi32>
        %get3A = arith.index_cast %rem3A_152 : i32 to index
        %get3A_409 = arith.index_cast %add3A_405 : i32 to index
        %get3A_410 = arith.constant 0 : index
        %get3A_411 = tpu.vector_load %arg6[%get3A, %get3A_409, %get3A_410] {strides = array<i32>} : memref<4x128x64xf32, #tpu.memory_space<vmem>>, vector<16xf32>,
        %scatter3A = arith.constant 0 : i32
        %scatter3A_412 = arith.constant 0 : i32
        %scatter3A_413 = tpu.memref_slice %arg7[%rem3A_152, %scatter3A, %scatter3A_412] : memref<4x64x129xf32, #tpu.memory_space<vmem>> -> memref<1x64x129xf32, #tpu.memory_space<vmem>>
        %scatter3A_414 = tpu.memref_squeeze %scatter3A_413 : memref<1x64x129xf32, #tpu.memory_space<vmem>> -> memref<64x129xf32, #tpu.memory_space<vmem>>
        tpu.vector_store_idx %scatter3A_414[%add3A_3, %add3A_408], %get3A_411 : memref<64x129xf32, #tpu.memory_space<vmem>>[vector<16xi32>, vector<16xi32>], vector<16xf32>,
        %get3A_415 = arith.index_cast %rem3A_152 : i32 to index
        %get3A_416 = arith.index_cast %add3A_405 : i32 to index
        %get3A_417 = arith.constant 16 : index
        %get3A_418 = tpu.vector_load %arg6[%get3A_415, %get3A_416, %get3A_417] {strides = array<i32>} : memref<4x128x64xf32, #tpu.memory_space<vmem>>, vector<16xf32>,
        %scatter3A_419 = arith.constant 0 : i32
        %scatter3A_420 = arith.constant 0 : i32
        %scatter3A_421 = tpu.memref_slice %arg7[%rem3A_152, %scatter3A_419, %scatter3A_420] : memref<4x64x129xf32, #tpu.memory_space<vmem>> -> memref<1x64x129xf32, #tpu.memory_space<vmem>>
        %scatter3A_422 = tpu.memref_squeeze %scatter3A_421 : memref<1x64x129xf32, #tpu.memory_space<vmem>> -> memref<64x129xf32, #tpu.memory_space<vmem>>
        tpu.vector_store_idx %scatter3A_422[%add3A_6, %add3A_408], %get3A_418 : memref<64x129xf32, #tpu.memory_space<vmem>>[vector<16xi32>, vector<16xi32>], vector<16xf32>,
        %get3A_423 = arith.index_cast %rem3A_152 : i32 to index
        %get3A_424 = arith.index_cast %add3A_405 : i32 to index
        %get3A_425 = arith.constant 32 : index
        %get3A_426 = tpu.vector_load %arg6[%get3A_423, %get3A_424, %get3A_425] {strides = array<i32>} : memref<4x128x64xf32, #tpu.memory_space<vmem>>, vector<16xf32>,
        %scatter3A_427 = arith.constant 0 : i32
        %scatter3A_428 = arith.constant 0 : i32
        %scatter3A_429 = tpu.memref_slice %arg7[%rem3A_152, %scatter3A_427, %scatter3A_428] : memref<4x64x129xf32, #tpu.memory_space<vmem>> -> memref<1x64x129xf32, #tpu.memory_space<vmem>>
        %scatter3A_430 = tpu.memref_squeeze %scatter3A_429 : memref<1x64x129xf32, #tpu.memory_space<vmem>> -> memref<64x129xf32, #tpu.memory_space<vmem>>
        tpu.vector_store_idx %scatter3A_430[%add3A_9, %add3A_408], %get3A_426 : memref<64x129xf32, #tpu.memory_space<vmem>>[vector<16xi32>, vector<16xi32>], vector<16xf32>,
        %get3A_431 = arith.index_cast %rem3A_152 : i32 to index
        %get3A_432 = arith.index_cast %add3A_405 : i32 to index
        %get3A_433 = arith.constant 48 : index
        %get3A_434 = tpu.vector_load %arg6[%get3A_431, %get3A_432, %get3A_433] {strides = array<i32>} : memref<4x128x64xf32, #tpu.memory_space<vmem>>, vector<16xf32>,
        %scatter3A_435 = arith.constant 0 : i32
        %scatter3A_436 = arith.constant 0 : i32
        %scatter3A_437 = tpu.memref_slice %arg7[%rem3A_152, %scatter3A_435, %scatter3A_436] : memref<4x64x129xf32, #tpu.memory_space<vmem>> -> memref<1x64x129xf32, #tpu.memory_space<vmem>>
        %scatter3A_438 = tpu.memref_squeeze %scatter3A_437 : memref<1x64x129xf32, #tpu.memory_space<vmem>> -> memref<64x129xf32, #tpu.memory_space<vmem>>
        tpu.vector_store_idx %scatter3A_438[%add3A_12, %add3A_408], %get3A_434 : memref<64x129xf32, #tpu.memory_space<vmem>>[vector<16xi32>, vector<16xi32>], vector<16xf32>,
        %scan3A_439 = arith.constant 1 : i32
        %scan3A_440 = arith.addi %scan3A_401, %scan3A_439 : i32
        %mul3A_441 = arith.constant 1 : i32
        %mul3A_442 = arith.muli %scan3A_440, %mul3A_441 : i32
        %add3A_443 = arith.constant 0 : i32
        %add3A_444 = arith.addi %add3A_443, %mul3A_442 : i32
        %broadcast_in_dim3A_445 = arith.constant 0 : i32
        %broadcast_in_dim3A_446 = vector.broadcast %broadcast_in_dim3A_445 : i32 to vector<16xi32>
        %add3A_447 = vector.broadcast %add3A_444 : i32 to vector<16xi32>
        %add3A_448 = arith.addi %broadcast_in_dim3A_446, %add3A_447 : vector<16xi32>
        %get3A_449 = arith.index_cast %rem3A_152 : i32 to index
        %get3A_450 = arith.index_cast %add3A_444 : i32 to index
        %get3A_451 = arith.constant 0 : index
        %get3A_452 = tpu.vector_load %arg6[%get3A_449, %get3A_450, %get3A_451] {strides = array<i32>} : memref<4x128x64xf32, #tpu.memory_space<vmem>>, vector<16xf32>,
        %scatter3A_453 = arith.constant 0 : i32
        %scatter3A_454 = arith.constant 0 : i32
        %scatter3A_455 = tpu.memref_slice %arg7[%rem3A_152, %scatter3A_453, %scatter3A_454] : memref<4x64x129xf32, #tpu.memory_space<vmem>> -> memref<1x64x129xf32, #tpu.memory_space<vmem>>
        %scatter3A_456 = tpu.memref_squeeze %scatter3A_455 : memref<1x64x129xf32, #tpu.memory_space<vmem>> -> memref<64x129xf32, #tpu.memory_space<vmem>>
        tpu.vector_store_idx %scatter3A_456[%add3A_3, %add3A_448], %get3A_452 : memref<64x129xf32, #tpu.memory_space<vmem>>[vector<16xi32>, vector<16xi32>], vector<16xf32>,
        %get3A_457 = arith.index_cast %rem3A_152 : i32 to index
        %get3A_458 = arith.index_cast %add3A_444 : i32 to index
        %get3A_459 = arith.constant 16 : index
        %get3A_460 = tpu.vector_load %arg6[%get3A_457, %get3A_458, %get3A_459] {strides = array<i32>} : memref<4x128x64xf32, #tpu.memory_space<vmem>>, vector<16xf32>,
        %scatter3A_461 = arith.constant 0 : i32
        %scatter3A_462 = arith.constant 0 : i32
        %scatter3A_463 = tpu.memref_slice %arg7[%rem3A_152, %scatter3A_461, %scatter3A_462] : memref<4x64x129xf32, #tpu.memory_space<vmem>> -> memref<1x64x129xf32, #tpu.memory_space<vmem>>
        %scatter3A_464 = tpu.memref_squeeze %scatter3A_463 : memref<1x64x129xf32, #tpu.memory_space<vmem>> -> memref<64x129xf32, #tpu.memory_space<vmem>>
        tpu.vector_store_idx %scatter3A_464[%add3A_6, %add3A_448], %get3A_460 : memref<64x129xf32, #tpu.memory_space<vmem>>[vector<16xi32>, vector<16xi32>], vector<16xf32>,
        %get3A_465 = arith.index_cast %rem3A_152 : i32 to index
        %get3A_466 = arith.index_cast %add3A_444 : i32 to index
        %get3A_467 = arith.constant 32 : index
        %get3A_468 = tpu.vector_load %arg6[%get3A_465, %get3A_466, %get3A_467] {strides = array<i32>} : memref<4x128x64xf32, #tpu.memory_space<vmem>>, vector<16xf32>,
        %scatter3A_469 = arith.constant 0 : i32
        %scatter3A_470 = arith.constant 0 : i32
        %scatter3A_471 = tpu.memref_slice %arg7[%rem3A_152, %scatter3A_469, %scatter3A_470] : memref<4x64x129xf32, #tpu.memory_space<vmem>> -> memref<1x64x129xf32, #tpu.memory_space<vmem>>
        %scatter3A_472 = tpu.memref_squeeze %scatter3A_471 : memref<1x64x129xf32, #tpu.memory_space<vmem>> -> memref<64x129xf32, #tpu.memory_space<vmem>>
        tpu.vector_store_idx %scatter3A_472[%add3A_9, %add3A_448], %get3A_468 : memref<64x129xf32, #tpu.memory_space<vmem>>[vector<16xi32>, vector<16xi32>], vector<16xf32>,
        %get3A_473 = arith.index_cast %rem3A_152 : i32 to index
        %get3A_474 = arith.index_cast %add3A_444 : i32 to index
        %get3A_475 = arith.constant 48 : index
        %get3A_476 = tpu.vector_load %arg6[%get3A_473, %get3A_474, %get3A_475] {strides = array<i32>} : memref<4x128x64xf32, #tpu.memory_space<vmem>>, vector<16xf32>,
        %scatter3A_477 = arith.constant 0 : i32
        %scatter3A_478 = arith.constant 0 : i32
        %scatter3A_479 = tpu.memref_slice %arg7[%rem3A_152, %scatter3A_477, %scatter3A_478] : memref<4x64x129xf32, #tpu.memory_space<vmem>> -> memref<1x64x129xf32, #tpu.memory_space<vmem>>
        %scatter3A_480 = tpu.memref_squeeze %scatter3A_479 : memref<1x64x129xf32, #tpu.memory_space<vmem>> -> memref<64x129xf32, #tpu.memory_space<vmem>>
        tpu.vector_store_idx %scatter3A_480[%add3A_12, %add3A_448], %get3A_476 : memref<64x129xf32, #tpu.memory_space<vmem>>[vector<16xi32>, vector<16xi32>], vector<16xf32>,
        %scan3A_481 = arith.constant 2 : i32
        %scan3A_482 = arith.addi %scan3A_401, %scan3A_481 : i32
        %mul3A_483 = arith.constant 1 : i32
        %mul3A_484 = arith.muli %scan3A_482, %mul3A_483 : i32
        %add3A_485 = arith.constant 0 : i32
        %add3A_486 = arith.addi %add3A_485, %mul3A_484 : i32
        %broadcast_in_dim3A_487 = arith.constant 0 : i32
        %broadcast_in_dim3A_488 = vector.broadcast %broadcast_in_dim3A_487 : i32 to vector<16xi32>
        %add3A_489 = vector.broadcast %add3A_486 : i32 to vector<16xi32>
        %add3A_490 = arith.addi %broadcast_in_dim3A_488, %add3A_489 : vector<16xi32>
        %get3A_491 = arith.index_cast %rem3A_152 : i32 to index
        %get3A_492 = arith.index_cast %add3A_486 : i32 to index
        %get3A_493 = arith.constant 0 : index
        %get3A_494 = tpu.vector_load %arg6[%get3A_491, %get3A_492, %get3A_493] {strides = array<i32>} : memref<4x128x64xf32, #tpu.memory_space<vmem>>, vector<16xf32>,
        %scatter3A_495 = arith.constant 0 : i32
        %scatter3A_496 = arith.constant 0 : i32
        %scatter3A_497 = tpu.memref_slice %arg7[%rem3A_152, %scatter3A_495, %scatter3A_496] : memref<4x64x129xf32, #tpu.memory_space<vmem>> -> memref<1x64x129xf32, #tpu.memory_space<vmem>>
        %scatter3A_498 = tpu.memref_squeeze %scatter3A_497 : memref<1x64x129xf32, #tpu.memory_space<vmem>> -> memref<64x129xf32, #tpu.memory_space<vmem>>
        tpu.vector_store_idx %scatter3A_498[%add3A_3, %add3A_490], %get3A_494 : memref<64x129xf32, #tpu.memory_space<vmem>>[vector<16xi32>, vector<16xi32>], vector<16xf32>,
        %get3A_499 = arith.index_cast %rem3A_152 : i32 to index
        %get3A_500 = arith.index_cast %add3A_486 : i32 to index
        %get3A_501 = arith.constant 16 : index
        %get3A_502 = tpu.vector_load %arg6[%get3A_499, %get3A_500, %get3A_501] {strides = array<i32>} : memref<4x128x64xf32, #tpu.memory_space<vmem>>, vector<16xf32>,
        %scatter3A_503 = arith.constant 0 : i32
        %scatter3A_504 = arith.constant 0 : i32
        %scatter3A_505 = tpu.memref_slice %arg7[%rem3A_152, %scatter3A_503, %scatter3A_504] : memref<4x64x129xf32, #tpu.memory_space<vmem>> -> memref<1x64x129xf32, #tpu.memory_space<vmem>>
        %scatter3A_506 = tpu.memref_squeeze %scatter3A_505 : memref<1x64x129xf32, #tpu.memory_space<vmem>> -> memref<64x129xf32, #tpu.memory_space<vmem>>
        tpu.vector_store_idx %scatter3A_506[%add3A_6, %add3A_490], %get3A_502 : memref<64x129xf32, #tpu.memory_space<vmem>>[vector<16xi32>, vector<16xi32>], vector<16xf32>,
        %get3A_507 = arith.index_cast %rem3A_152 : i32 to index
        %get3A_508 = arith.index_cast %add3A_486 : i32 to index
        %get3A_509 = arith.constant 32 : index
        %get3A_510 = tpu.vector_load %arg6[%get3A_507, %get3A_508, %get3A_509] {strides = array<i32>} : memref<4x128x64xf32, #tpu.memory_space<vmem>>, vector<16xf32>,
        %scatter3A_511 = arith.constant 0 : i32
        %scatter3A_512 = arith.constant 0 : i32
        %scatter3A_513 = tpu.memref_slice %arg7[%rem3A_152, %scatter3A_511, %scatter3A_512] : memref<4x64x129xf32, #tpu.memory_space<vmem>> -> memref<1x64x129xf32, #tpu.memory_space<vmem>>
        %scatter3A_514 = tpu.memref_squeeze %scatter3A_513 : memref<1x64x129xf32, #tpu.memory_space<vmem>> -> memref<64x129xf32, #tpu.memory_space<vmem>>
        tpu.vector_store_idx %scatter3A_514[%add3A_9, %add3A_490], %get3A_510 : memref<64x129xf32, #tpu.memory_space<vmem>>[vector<16xi32>, vector<16xi32>], vector<16xf32>,
        %get3A_515 = arith.index_cast %rem3A_152 : i32 to index
        %get3A_516 = arith.index_cast %add3A_486 : i32 to index
        %get3A_517 = arith.constant 48 : index
        %get3A_518 = tpu.vector_load %arg6[%get3A_515, %get3A_516, %get3A_517] {strides = array<i32>} : memref<4x128x64xf32, #tpu.memory_space<vmem>>, vector<16xf32>,
        %scatter3A_519 = arith.constant 0 : i32
        %scatter3A_520 = arith.constant 0 : i32
        %scatter3A_521 = tpu.memref_slice %arg7[%rem3A_152, %scatter3A_519, %scatter3A_520] : memref<4x64x129xf32, #tpu.memory_space<vmem>> -> memref<1x64x129xf32, #tpu.memory_space<vmem>>
        %scatter3A_522 = tpu.memref_squeeze %scatter3A_521 : memref<1x64x129xf32, #tpu.memory_space<vmem>> -> memref<64x129xf32, #tpu.memory_space<vmem>>
        tpu.vector_store_idx %scatter3A_522[%add3A_12, %add3A_490], %get3A_518 : memref<64x129xf32, #tpu.memory_space<vmem>>[vector<16xi32>, vector<16xi32>], vector<16xf32>,
        %scan3A_523 = arith.constant 3 : i32
        %scan3A_524 = arith.addi %scan3A_401, %scan3A_523 : i32
        %mul3A_525 = arith.constant 1 : i32
        %mul3A_526 = arith.muli %scan3A_524, %mul3A_525 : i32
        %add3A_527 = arith.constant 0 : i32
        %add3A_528 = arith.addi %add3A_527, %mul3A_526 : i32
        %broadcast_in_dim3A_529 = arith.constant 0 : i32
        %broadcast_in_dim3A_530 = vector.broadcast %broadcast_in_dim3A_529 : i32 to vector<16xi32>
        %add3A_531 = vector.broadcast %add3A_528 : i32 to vector<16xi32>
        %add3A_532 = arith.addi %broadcast_in_dim3A_530, %add3A_531 : vector<16xi32>
        %get3A_533 = arith.index_cast %rem3A_152 : i32 to index
        %get3A_534 = arith.index_cast %add3A_528 : i32 to index
        %get3A_535 = arith.constant 0 : index
        %get3A_536 = tpu.vector_load %arg6[%get3A_533, %get3A_534, %get3A_535] {strides = array<i32>} : memref<4x128x64xf32, #tpu.memory_space<vmem>>, vector<16xf32>,
        %scatter3A_537 = arith.constant 0 : i32
        %scatter3A_538 = arith.constant 0 : i32
        %scatter3A_539 = tpu.memref_slice %arg7[%rem3A_152, %scatter3A_537, %scatter3A_538] : memref<4x64x129xf32, #tpu.memory_space<vmem>> -> memref<1x64x129xf32, #tpu.memory_space<vmem>>
        %scatter3A_540 = tpu.memref_squeeze %scatter3A_539 : memref<1x64x129xf32, #tpu.memory_space<vmem>> -> memref<64x129xf32, #tpu.memory_space<vmem>>
        tpu.vector_store_idx %scatter3A_540[%add3A_3, %add3A_532], %get3A_536 : memref<64x129xf32, #tpu.memory_space<vmem>>[vector<16xi32>, vector<16xi32>], vector<16xf32>,
        %get3A_541 = arith.index_cast %rem3A_152 : i32 to index
        %get3A_542 = arith.index_cast %add3A_528 : i32 to index
        %get3A_543 = arith.constant 16 : index
        %get3A_544 = tpu.vector_load %arg6[%get3A_541, %get3A_542, %get3A_543] {strides = array<i32>} : memref<4x128x64xf32, #tpu.memory_space<vmem>>, vector<16xf32>,
        %scatter3A_545 = arith.constant 0 : i32
        %scatter3A_546 = arith.constant 0 : i32
        %scatter3A_547 = tpu.memref_slice %arg7[%rem3A_152, %scatter3A_545, %scatter3A_546] : memref<4x64x129xf32, #tpu.memory_space<vmem>> -> memref<1x64x129xf32, #tpu.memory_space<vmem>>
        %scatter3A_548 = tpu.memref_squeeze %scatter3A_547 : memref<1x64x129xf32, #tpu.memory_space<vmem>> -> memref<64x129xf32, #tpu.memory_space<vmem>>
        tpu.vector_store_idx %scatter3A_548[%add3A_6, %add3A_532], %get3A_544 : memref<64x129xf32, #tpu.memory_space<vmem>>[vector<16xi32>, vector<16xi32>], vector<16xf32>,
        %get3A_549 = arith.index_cast %rem3A_152 : i32 to index
        %get3A_550 = arith.index_cast %add3A_528 : i32 to index
        %get3A_551 = arith.constant 32 : index
        %get3A_552 = tpu.vector_load %arg6[%get3A_549, %get3A_550, %get3A_551] {strides = array<i32>} : memref<4x128x64xf32, #tpu.memory_space<vmem>>, vector<16xf32>,
        %scatter3A_553 = arith.constant 0 : i32
        %scatter3A_554 = arith.constant 0 : i32
        %scatter3A_555 = tpu.memref_slice %arg7[%rem3A_152, %scatter3A_553, %scatter3A_554] : memref<4x64x129xf32, #tpu.memory_space<vmem>> -> memref<1x64x129xf32, #tpu.memory_space<vmem>>
        %scatter3A_556 = tpu.memref_squeeze %scatter3A_555 : memref<1x64x129xf32, #tpu.memory_space<vmem>> -> memref<64x129xf32, #tpu.memory_space<vmem>>
        tpu.vector_store_idx %scatter3A_556[%add3A_9, %add3A_532], %get3A_552 : memref<64x129xf32, #tpu.memory_space<vmem>>[vector<16xi32>, vector<16xi32>], vector<16xf32>,
        %get3A_557 = arith.index_cast %rem3A_152 : i32 to index
        %get3A_558 = arith.index_cast %add3A_528 : i32 to index
        %get3A_559 = arith.constant 48 : index
        %get3A_560 = tpu.vector_load %arg6[%get3A_557, %get3A_558, %get3A_559] {strides = array<i32>} : memref<4x128x64xf32, #tpu.memory_space<vmem>>, vector<16xf32>,
        %scatter3A_561 = arith.constant 0 : i32
        %scatter3A_562 = arith.constant 0 : i32
        %scatter3A_563 = tpu.memref_slice %arg7[%rem3A_152, %scatter3A_561, %scatter3A_562] : memref<4x64x129xf32, #tpu.memory_space<vmem>> -> memref<1x64x129xf32, #tpu.memory_space<vmem>>
        %scatter3A_564 = tpu.memref_squeeze %scatter3A_563 : memref<1x64x129xf32, #tpu.memory_space<vmem>> -> memref<64x129xf32, #tpu.memory_space<vmem>>
        tpu.vector_store_idx %scatter3A_564[%add3A_12, %add3A_532], %get3A_560 : memref<64x129xf32, #tpu.memory_space<vmem>>[vector<16xi32>, vector<16xi32>], vector<16xf32>,
        %scan3A_565 = arith.constant 4 : i32
        %scan3A_566 = arith.addi %scan3A_401, %scan3A_565 : i32
        %mul3A_567 = arith.constant 1 : i32
        %mul3A_568 = arith.muli %scan3A_566, %mul3A_567 : i32
        %add3A_569 = arith.constant 0 : i32
        %add3A_570 = arith.addi %add3A_569, %mul3A_568 : i32
        %broadcast_in_dim3A_571 = arith.constant 0 : i32
        %broadcast_in_dim3A_572 = vector.broadcast %broadcast_in_dim3A_571 : i32 to vector<16xi32>
        %add3A_573 = vector.broadcast %add3A_570 : i32 to vector<16xi32>
        %add3A_574 = arith.addi %broadcast_in_dim3A_572, %add3A_573 : vector<16xi32>
        %get3A_575 = arith.index_cast %rem3A_152 : i32 to index
        %get3A_576 = arith.index_cast %add3A_570 : i32 to index
        %get3A_577 = arith.constant 0 : index
        %get3A_578 = tpu.vector_load %arg6[%get3A_575, %get3A_576, %get3A_577] {strides = array<i32>} : memref<4x128x64xf32, #tpu.memory_space<vmem>>, vector<16xf32>,
        %scatter3A_579 = arith.constant 0 : i32
        %scatter3A_580 = arith.constant 0 : i32
        %scatter3A_581 = tpu.memref_slice %arg7[%rem3A_152, %scatter3A_579, %scatter3A_580] : memref<4x64x129xf32, #tpu.memory_space<vmem>> -> memref<1x64x129xf32, #tpu.memory_space<vmem>>
        %scatter3A_582 = tpu.memref_squeeze %scatter3A_581 : memref<1x64x129xf32, #tpu.memory_space<vmem>> -> memref<64x129xf32, #tpu.memory_space<vmem>>
        tpu.vector_store_idx %scatter3A_582[%add3A_3, %add3A_574], %get3A_578 : memref<64x129xf32, #tpu.memory_space<vmem>>[vector<16xi32>, vector<16xi32>], vector<16xf32>,
        %get3A_583 = arith.index_cast %rem3A_152 : i32 to index
        %get3A_584 = arith.index_cast %add3A_570 : i32 to index
        %get3A_585 = arith.constant 16 : index
        %get3A_586 = tpu.vector_load %arg6[%get3A_583, %get3A_584, %get3A_585] {strides = array<i32>} : memref<4x128x64xf32, #tpu.memory_space<vmem>>, vector<16xf32>,
        %scatter3A_587 = arith.constant 0 : i32
        %scatter3A_588 = arith.constant 0 : i32
        %scatter3A_589 = tpu.memref_slice %arg7[%rem3A_152, %scatter3A_587, %scatter3A_588] : memref<4x64x129xf32, #tpu.memory_space<vmem>> -> memref<1x64x129xf32, #tpu.memory_space<vmem>>
        %scatter3A_590 = tpu.memref_squeeze %scatter3A_589 : memref<1x64x129xf32, #tpu.memory_space<vmem>> -> memref<64x129xf32, #tpu.memory_space<vmem>>
        tpu.vector_store_idx %scatter3A_590[%add3A_6, %add3A_574], %get3A_586 : memref<64x129xf32, #tpu.memory_space<vmem>>[vector<16xi32>, vector<16xi32>], vector<16xf32>,
        %get3A_591 = arith.index_cast %rem3A_152 : i32 to index
        %get3A_592 = arith.index_cast %add3A_570 : i32 to index
        %get3A_593 = arith.constant 32 : index
        %get3A_594 = tpu.vector_load %arg6[%get3A_591, %get3A_592, %get3A_593] {strides = array<i32>} : memref<4x128x64xf32, #tpu.memory_space<vmem>>, vector<16xf32>,
        %scatter3A_595 = arith.constant 0 : i32
        %scatter3A_596 = arith.constant 0 : i32
        %scatter3A_597 = tpu.memref_slice %arg7[%rem3A_152, %scatter3A_595, %scatter3A_596] : memref<4x64x129xf32, #tpu.memory_space<vmem>> -> memref<1x64x129xf32, #tpu.memory_space<vmem>>
        %scatter3A_598 = tpu.memref_squeeze %scatter3A_597 : memref<1x64x129xf32, #tpu.memory_space<vmem>> -> memref<64x129xf32, #tpu.memory_space<vmem>>
        tpu.vector_store_idx %scatter3A_598[%add3A_9, %add3A_574], %get3A_594 : memref<64x129xf32, #tpu.memory_space<vmem>>[vector<16xi32>, vector<16xi32>], vector<16xf32>,
        %get3A_599 = arith.index_cast %rem3A_152 : i32 to index
        %get3A_600 = arith.index_cast %add3A_570 : i32 to index
        %get3A_601 = arith.constant 48 : index
        %get3A_602 = tpu.vector_load %arg6[%get3A_599, %get3A_600, %get3A_601] {strides = array<i32>} : memref<4x128x64xf32, #tpu.memory_space<vmem>>, vector<16xf32>,
        %scatter3A_603 = arith.constant 0 : i32
        %scatter3A_604 = arith.constant 0 : i32
        %scatter3A_605 = tpu.memref_slice %arg7[%rem3A_152, %scatter3A_603, %scatter3A_604] : memref<4x64x129xf32, #tpu.memory_space<vmem>> -> memref<1x64x129xf32, #tpu.memory_space<vmem>>
        %scatter3A_606 = tpu.memref_squeeze %scatter3A_605 : memref<1x64x129xf32, #tpu.memory_space<vmem>> -> memref<64x129xf32, #tpu.memory_space<vmem>>
        tpu.vector_store_idx %scatter3A_606[%add3A_12, %add3A_574], %get3A_602 : memref<64x129xf32, #tpu.memory_space<vmem>>[vector<16xi32>, vector<16xi32>], vector<16xf32>,
        %scan3A_607 = arith.constant 5 : i32
        %scan3A_608 = arith.addi %scan3A_401, %scan3A_607 : i32
        %mul3A_609 = arith.constant 1 : i32
        %mul3A_610 = arith.muli %scan3A_608, %mul3A_609 : i32
        %add3A_611 = arith.constant 0 : i32
        %add3A_612 = arith.addi %add3A_611, %mul3A_610 : i32
        %broadcast_in_dim3A_613 = arith.constant 0 : i32
        %broadcast_in_dim3A_614 = vector.broadcast %broadcast_in_dim3A_613 : i32 to vector<16xi32>
        %add3A_615 = vector.broadcast %add3A_612 : i32 to vector<16xi32>
        %add3A_616 = arith.addi %broadcast_in_dim3A_614, %add3A_615 : vector<16xi32>
        %get3A_617 = arith.index_cast %rem3A_152 : i32 to index
        %get3A_618 = arith.index_cast %add3A_612 : i32 to index
        %get3A_619 = arith.constant 0 : index
        %get3A_620 = tpu.vector_load %arg6[%get3A_617, %get3A_618, %get3A_619] {strides = array<i32>} : memref<4x128x64xf32, #tpu.memory_space<vmem>>, vector<16xf32>,
        %scatter3A_621 = arith.constant 0 : i32
        %scatter3A_622 = arith.constant 0 : i32
        %scatter3A_623 = tpu.memref_slice %arg7[%rem3A_152, %scatter3A_621, %scatter3A_622] : memref<4x64x129xf32, #tpu.memory_space<vmem>> -> memref<1x64x129xf32, #tpu.memory_space<vmem>>
        %scatter3A_624 = tpu.memref_squeeze %scatter3A_623 : memref<1x64x129xf32, #tpu.memory_space<vmem>> -> memref<64x129xf32, #tpu.memory_space<vmem>>
        tpu.vector_store_idx %scatter3A_624[%add3A_3, %add3A_616], %get3A_620 : memref<64x129xf32, #tpu.memory_space<vmem>>[vector<16xi32>, vector<16xi32>], vector<16xf32>,
        %get3A_625 = arith.index_cast %rem3A_152 : i32 to index
        %get3A_626 = arith.index_cast %add3A_612 : i32 to index
        %get3A_627 = arith.constant 16 : index
        %get3A_628 = tpu.vector_load %arg6[%get3A_625, %get3A_626, %get3A_627] {strides = array<i32>} : memref<4x128x64xf32, #tpu.memory_space<vmem>>, vector<16xf32>,
        %scatter3A_629 = arith.constant 0 : i32
        %scatter3A_630 = arith.constant 0 : i32
        %scatter3A_631 = tpu.memref_slice %arg7[%rem3A_152, %scatter3A_629, %scatter3A_630] : memref<4x64x129xf32, #tpu.memory_space<vmem>> -> memref<1x64x129xf32, #tpu.memory_space<vmem>>
        %scatter3A_632 = tpu.memref_squeeze %scatter3A_631 : memref<1x64x129xf32, #tpu.memory_space<vmem>> -> memref<64x129xf32, #tpu.memory_space<vmem>>
        tpu.vector_store_idx %scatter3A_632[%add3A_6, %add3A_616], %get3A_628 : memref<64x129xf32, #tpu.memory_space<vmem>>[vector<16xi32>, vector<16xi32>], vector<16xf32>,
        %get3A_633 = arith.index_cast %rem3A_152 : i32 to index
        %get3A_634 = arith.index_cast %add3A_612 : i32 to index
        %get3A_635 = arith.constant 32 : index
        %get3A_636 = tpu.vector_load %arg6[%get3A_633, %get3A_634, %get3A_635] {strides = array<i32>} : memref<4x128x64xf32, #tpu.memory_space<vmem>>, vector<16xf32>,
        %scatter3A_637 = arith.constant 0 : i32
        %scatter3A_638 = arith.constant 0 : i32
        %scatter3A_639 = tpu.memref_slice %arg7[%rem3A_152, %scatter3A_637, %scatter3A_638] : memref<4x64x129xf32, #tpu.memory_space<vmem>> -> memref<1x64x129xf32, #tpu.memory_space<vmem>>
        %scatter3A_640 = tpu.memref_squeeze %scatter3A_639 : memref<1x64x129xf32, #tpu.memory_space<vmem>> -> memref<64x129xf32, #tpu.memory_space<vmem>>
        tpu.vector_store_idx %scatter3A_640[%add3A_9, %add3A_616], %get3A_636 : memref<64x129xf32, #tpu.memory_space<vmem>>[vector<16xi32>, vector<16xi32>], vector<16xf32>,
        %get3A_641 = arith.index_cast %rem3A_152 : i32 to index
        %get3A_642 = arith.index_cast %add3A_612 : i32 to index
        %get3A_643 = arith.constant 48 : index
        %get3A_644 = tpu.vector_load %arg6[%get3A_641, %get3A_642, %get3A_643] {strides = array<i32>} : memref<4x128x64xf32, #tpu.memory_space<vmem>>, vector<16xf32>,
        %scatter3A_645 = arith.constant 0 : i32
        %scatter3A_646 = arith.constant 0 : i32
        %scatter3A_647 = tpu.memref_slice %arg7[%rem3A_152, %scatter3A_645, %scatter3A_646] : memref<4x64x129xf32, #tpu.memory_space<vmem>> -> memref<1x64x129xf32, #tpu.memory_space<vmem>>
        %scatter3A_648 = tpu.memref_squeeze %scatter3A_647 : memref<1x64x129xf32, #tpu.memory_space<vmem>> -> memref<64x129xf32, #tpu.memory_space<vmem>>
        tpu.vector_store_idx %scatter3A_648[%add3A_12, %add3A_616], %get3A_644 : memref<64x129xf32, #tpu.memory_space<vmem>>[vector<16xi32>, vector<16xi32>], vector<16xf32>,
        %scan3A_649 = arith.constant 6 : i32
        %scan3A_650 = arith.addi %scan3A_401, %scan3A_649 : i32
        %mul3A_651 = arith.constant 1 : i32
        %mul3A_652 = arith.muli %scan3A_650, %mul3A_651 : i32
        %add3A_653 = arith.constant 0 : i32
        %add3A_654 = arith.addi %add3A_653, %mul3A_652 : i32
        %broadcast_in_dim3A_655 = arith.constant 0 : i32
        %broadcast_in_dim3A_656 = vector.broadcast %broadcast_in_dim3A_655 : i32 to vector<16xi32>
        %add3A_657 = vector.broadcast %add3A_654 : i32 to vector<16xi32>
        %add3A_658 = arith.addi %broadcast_in_dim3A_656, %add3A_657 : vector<16xi32>
        %get3A_659 = arith.index_cast %rem3A_152 : i32 to index
        %get3A_660 = arith.index_cast %add3A_654 : i32 to index
        %get3A_661 = arith.constant 0 : index
        %get3A_662 = tpu.vector_load %arg6[%get3A_659, %get3A_660, %get3A_661] {strides = array<i32>} : memref<4x128x64xf32, #tpu.memory_space<vmem>>, vector<16xf32>,
        %scatter3A_663 = arith.constant 0 : i32
        %scatter3A_664 = arith.constant 0 : i32
        %scatter3A_665 = tpu.memref_slice %arg7[%rem3A_152, %scatter3A_663, %scatter3A_664] : memref<4x64x129xf32, #tpu.memory_space<vmem>> -> memref<1x64x129xf32, #tpu.memory_space<vmem>>
        %scatter3A_666 = tpu.memref_squeeze %scatter3A_665 : memref<1x64x129xf32, #tpu.memory_space<vmem>> -> memref<64x129xf32, #tpu.memory_space<vmem>>
        tpu.vector_store_idx %scatter3A_666[%add3A_3, %add3A_658], %get3A_662 : memref<64x129xf32, #tpu.memory_space<vmem>>[vector<16xi32>, vector<16xi32>], vector<16xf32>,
        %get3A_667 = arith.index_cast %rem3A_152 : i32 to index
        %get3A_668 = arith.index_cast %add3A_654 : i32 to index
        %get3A_669 = arith.constant 16 : index
        %get3A_670 = tpu.vector_load %arg6[%get3A_667, %get3A_668, %get3A_669] {strides = array<i32>} : memref<4x128x64xf32, #tpu.memory_space<vmem>>, vector<16xf32>,
        %scatter3A_671 = arith.constant 0 : i32
        %scatter3A_672 = arith.constant 0 : i32
        %scatter3A_673 = tpu.memref_slice %arg7[%rem3A_152, %scatter3A_671, %scatter3A_672] : memref<4x64x129xf32, #tpu.memory_space<vmem>> -> memref<1x64x129xf32, #tpu.memory_space<vmem>>
        %scatter3A_674 = tpu.memref_squeeze %scatter3A_673 : memref<1x64x129xf32, #tpu.memory_space<vmem>> -> memref<64x129xf32, #tpu.memory_space<vmem>>
        tpu.vector_store_idx %scatter3A_674[%add3A_6, %add3A_658], %get3A_670 : memref<64x129xf32, #tpu.memory_space<vmem>>[vector<16xi32>, vector<16xi32>], vector<16xf32>,
        %get3A_675 = arith.index_cast %rem3A_152 : i32 to index
        %get3A_676 = arith.index_cast %add3A_654 : i32 to index
        %get3A_677 = arith.constant 32 : index
        %get3A_678 = tpu.vector_load %arg6[%get3A_675, %get3A_676, %get3A_677] {strides = array<i32>} : memref<4x128x64xf32, #tpu.memory_space<vmem>>, vector<16xf32>,
        %scatter3A_679 = arith.constant 0 : i32
        %scatter3A_680 = arith.constant 0 : i32
        %scatter3A_681 = tpu.memref_slice %arg7[%rem3A_152, %scatter3A_679, %scatter3A_680] : memref<4x64x129xf32, #tpu.memory_space<vmem>> -> memref<1x64x129xf32, #tpu.memory_space<vmem>>
        %scatter3A_682 = tpu.memref_squeeze %scatter3A_681 : memref<1x64x129xf32, #tpu.memory_space<vmem>> -> memref<64x129xf32, #tpu.memory_space<vmem>>
        tpu.vector_store_idx %scatter3A_682[%add3A_9, %add3A_658], %get3A_678 : memref<64x129xf32, #tpu.memory_space<vmem>>[vector<16xi32>, vector<16xi32>], vector<16xf32>,
        %get3A_683 = arith.index_cast %rem3A_152 : i32 to index
        %get3A_684 = arith.index_cast %add3A_654 : i32 to index
        %get3A_685 = arith.constant 48 : index
        %get3A_686 = tpu.vector_load %arg6[%get3A_683, %get3A_684, %get3A_685] {strides = array<i32>} : memref<4x128x64xf32, #tpu.memory_space<vmem>>, vector<16xf32>,
        %scatter3A_687 = arith.constant 0 : i32
        %scatter3A_688 = arith.constant 0 : i32
        %scatter3A_689 = tpu.memref_slice %arg7[%rem3A_152, %scatter3A_687, %scatter3A_688] : memref<4x64x129xf32, #tpu.memory_space<vmem>> -> memref<1x64x129xf32, #tpu.memory_space<vmem>>
        %scatter3A_690 = tpu.memref_squeeze %scatter3A_689 : memref<1x64x129xf32, #tpu.memory_space<vmem>> -> memref<64x129xf32, #tpu.memory_space<vmem>>
        tpu.vector_store_idx %scatter3A_690[%add3A_12, %add3A_658], %get3A_686 : memref<64x129xf32, #tpu.memory_space<vmem>>[vector<16xi32>, vector<16xi32>], vector<16xf32>,
        %scan3A_691 = arith.constant 7 : i32
        %scan3A_692 = arith.addi %scan3A_401, %scan3A_691 : i32
        %mul3A_693 = arith.constant 1 : i32
        %mul3A_694 = arith.muli %scan3A_692, %mul3A_693 : i32
        %add3A_695 = arith.constant 0 : i32
        %add3A_696 = arith.addi %add3A_695, %mul3A_694 : i32
        %broadcast_in_dim3A_697 = arith.constant 0 : i32
        %broadcast_in_dim3A_698 = vector.broadcast %broadcast_in_dim3A_697 : i32 to vector<16xi32>
        %add3A_699 = vector.broadcast %add3A_696 : i32 to vector<16xi32>
        %add3A_700 = arith.addi %broadcast_in_dim3A_698, %add3A_699 : vector<16xi32>
        %get3A_701 = arith.index_cast %rem3A_152 : i32 to index
        %get3A_702 = arith.index_cast %add3A_696 : i32 to index
        %get3A_703 = arith.constant 0 : index
        %get3A_704 = tpu.vector_load %arg6[%get3A_701, %get3A_702, %get3A_703] {strides = array<i32>} : memref<4x128x64xf32, #tpu.memory_space<vmem>>, vector<16xf32>,
        %scatter3A_705 = arith.constant 0 : i32
        %scatter3A_706 = arith.constant 0 : i32
        %scatter3A_707 = tpu.memref_slice %arg7[%rem3A_152, %scatter3A_705, %scatter3A_706] : memref<4x64x129xf32, #tpu.memory_space<vmem>> -> memref<1x64x129xf32, #tpu.memory_space<vmem>>
        %scatter3A_708 = tpu.memref_squeeze %scatter3A_707 : memref<1x64x129xf32, #tpu.memory_space<vmem>> -> memref<64x129xf32, #tpu.memory_space<vmem>>
        tpu.vector_store_idx %scatter3A_708[%add3A_3, %add3A_700], %get3A_704 : memref<64x129xf32, #tpu.memory_space<vmem>>[vector<16xi32>, vector<16xi32>], vector<16xf32>,
        %get3A_709 = arith.index_cast %rem3A_152 : i32 to index
        %get3A_710 = arith.index_cast %add3A_696 : i32 to index
        %get3A_711 = arith.constant 16 : index
        %get3A_712 = tpu.vector_load %arg6[%get3A_709, %get3A_710, %get3A_711] {strides = array<i32>} : memref<4x128x64xf32, #tpu.memory_space<vmem>>, vector<16xf32>,
        %scatter3A_713 = arith.constant 0 : i32
        %scatter3A_714 = arith.constant 0 : i32
        %scatter3A_715 = tpu.memref_slice %arg7[%rem3A_152, %scatter3A_713, %scatter3A_714] : memref<4x64x129xf32, #tpu.memory_space<vmem>> -> memref<1x64x129xf32, #tpu.memory_space<vmem>>
        %scatter3A_716 = tpu.memref_squeeze %scatter3A_715 : memref<1x64x129xf32, #tpu.memory_space<vmem>> -> memref<64x129xf32, #tpu.memory_space<vmem>>
        tpu.vector_store_idx %scatter3A_716[%add3A_6, %add3A_700], %get3A_712 : memref<64x129xf32, #tpu.memory_space<vmem>>[vector<16xi32>, vector<16xi32>], vector<16xf32>,
        %get3A_717 = arith.index_cast %rem3A_152 : i32 to index
        %get3A_718 = arith.index_cast %add3A_696 : i32 to index
        %get3A_719 = arith.constant 32 : index
        %get3A_720 = tpu.vector_load %arg6[%get3A_717, %get3A_718, %get3A_719] {strides = array<i32>} : memref<4x128x64xf32, #tpu.memory_space<vmem>>, vector<16xf32>,
        %scatter3A_721 = arith.constant 0 : i32
        %scatter3A_722 = arith.constant 0 : i32
        %scatter3A_723 = tpu.memref_slice %arg7[%rem3A_152, %scatter3A_721, %scatter3A_722] : memref<4x64x129xf32, #tpu.memory_space<vmem>> -> memref<1x64x129xf32, #tpu.memory_space<vmem>>
        %scatter3A_724 = tpu.memref_squeeze %scatter3A_723 : memref<1x64x129xf32, #tpu.memory_space<vmem>> -> memref<64x129xf32, #tpu.memory_space<vmem>>
        tpu.vector_store_idx %scatter3A_724[%add3A_9, %add3A_700], %get3A_720 : memref<64x129xf32, #tpu.memory_space<vmem>>[vector<16xi32>, vector<16xi32>], vector<16xf32>,
        %get3A_725 = arith.index_cast %rem3A_152 : i32 to index
        %get3A_726 = arith.index_cast %add3A_696 : i32 to index
        %get3A_727 = arith.constant 48 : index
        %get3A_728 = tpu.vector_load %arg6[%get3A_725, %get3A_726, %get3A_727] {strides = array<i32>} : memref<4x128x64xf32, #tpu.memory_space<vmem>>, vector<16xf32>,
        %scatter3A_729 = arith.constant 0 : i32
        %scatter3A_730 = arith.constant 0 : i32
        %scatter3A_731 = tpu.memref_slice %arg7[%rem3A_152, %scatter3A_729, %scatter3A_730] : memref<4x64x129xf32, #tpu.memory_space<vmem>> -> memref<1x64x129xf32, #tpu.memory_space<vmem>>
        %scatter3A_732 = tpu.memref_squeeze %scatter3A_731 : memref<1x64x129xf32, #tpu.memory_space<vmem>> -> memref<64x129xf32, #tpu.memory_space<vmem>>
        tpu.vector_store_idx %scatter3A_732[%add3A_12, %add3A_700], %get3A_728 : memref<64x129xf32, #tpu.memory_space<vmem>>[vector<16xi32>, vector<16xi32>], vector<16xf32>,
      }
      %scan3A_175 = arith.constant 128 : i32
      %add3A_176 = arith.constant 4 : i32
      %add3A_177 = arith.addi %add3A_151, %add3A_176 : i32
      %lt3A = arith.constant 200 : i32
      %lt3A_178 = arith.cmpi slt, %add3A_177, %lt3A : i32
      %convert_element_type3A_179 = arith.extui %lt3A_178 : i1 to i32
      %cond3A_180 = arith.constant 0 : i32
      %cond3A_181 = arith.cmpi ne, %convert_element_type3A_179, %cond3A_180 : i32
      scf.if %cond3A_181 {
        %add3A_401 = arith.constant 4 : i32
        %add3A_402 = arith.addi %add3A_151, %add3A_401 : i32
        %dma_start3A_403 = arith.constant 0 : i32
        %dma_start3A_404 = arith.constant 0 : i32
        %dma_start3A_405 = tpu.memref_slice %arg6[%rem3A_152, %dma_start3A_403, %dma_start3A_404] : memref<4x128x64xf32, #tpu.memory_space<vmem>> -> memref<1x128x64xf32, #tpu.memory_space<vmem>>
        %dma_start3A_406 = tpu.memref_squeeze %dma_start3A_405 : memref<1x128x64xf32, #tpu.memory_space<vmem>> -> memref<128x64xf32, #tpu.memory_space<vmem>>
        %dma_start3A_407 = arith.constant 0 : i32
        %dma_start3A_408 = tpu.memref_slice %arg5[%add3A_402, %dma_start3A_407] : memref<200x128xi32, #tpu.memory_space<vmem>> -> memref<1x128xi32, #tpu.memory_space<vmem>>
        %dma_start3A_409 = tpu.memref_squeeze %dma_start3A_408 : memref<1x128xi32, #tpu.memory_space<vmem>> -> memref<128xi32, #tpu.memory_space<vmem>>
        %dma_start3A_410 = arith.constant 0 : i32
        %dma_start3A_411 = arith.constant 0 : i32
        %dma_start3A_412 = tpu.memref_slice %arg3[%dma_start3A_410, %dma_start3A_411] : memref<1000001x64xf32, #tpu.memory_space<hbm>> -> memref<1000001x64xf32, #tpu.memory_space<hbm>>
        %dma_start3A_413 = tpu.memref_slice %arg8[%rem3A_152] : memref<4x!tpu.dma_semaphore, #tpu.memory_space<semaphore_mem>> -> memref<1x!tpu.dma_semaphore, #tpu.memory_space<semaphore_mem>>
        %dma_start3A_414 = tpu.memref_squeeze %dma_start3A_413 : memref<1x!tpu.dma_semaphore, #tpu.memory_space<semaphore_mem>> -> memref<!tpu.dma_semaphore, #tpu.memory_space<semaphore_mem>>
        tpu.enqueue_indirect_dma source(%dma_start3A_412 : memref<1000001x64xf32, #tpu.memory_space<hbm>>) target(%dma_start3A_406 : memref<128x64xf32, #tpu.memory_space<vmem>>) offsets(%dma_start3A_409 : memref<128xi32, #tpu.memory_space<vmem>>) semaphore(%dma_start3A_414 : memref<!tpu.dma_semaphore, #tpu.memory_space<semaphore_mem>>)
      } else {
      }
      %mul3A_182 = arith.constant 200 : i32
      %mul3A_183 = arith.muli %add3A, %mul3A_182 : i32
      %add3A_184 = arith.addi %mul3A_183, %add3A_151 : i32
      %jit3A = arith.constant 128 : i32
      %div3A = arith.divsi %add3A_184, %jit3A : i32
      %sign3A = arith.constant 0 : i32
      %sign3A_185 = arith.cmpi sgt, %add3A_184, %sign3A : i32
      %sign3A_186 = arith.extui %sign3A_185 : i1 to i32
      %sign3A_187 = arith.constant 0 : i32
      %sign3A_188 = arith.cmpi slt, %add3A_184, %sign3A_187 : i32
      %sign3A_189 = arith.extui %sign3A_188 : i1 to i32
      %sign3A_190 = arith.subi %sign3A_186, %sign3A_189 : i32
      %sign3A_191 = arith.constant 0 : i32
      %sign3A_192 = arith.cmpi sgt, %jit3A, %sign3A_191 : i32
      %sign3A_193 = arith.extui %sign3A_192 : i1 to i32
      %sign3A_194 = arith.constant 0 : i32
      %sign3A_195 = arith.cmpi slt, %jit3A, %sign3A_194 : i32
      %sign3A_196 = arith.extui %sign3A_195 : i1 to i32
      %sign3A_197 = arith.subi %sign3A_193, %sign3A_196 : i32
      %ne3A = arith.cmpi ne, %sign3A_190, %sign3A_197 : i32
      %rem3A_198 = arith.remsi %add3A_184, %jit3A : i32
      %ne3A_199 = arith.constant 0 : i32
      %ne3A_200 = arith.cmpi ne, %rem3A_198, %ne3A_199 : i32
      %and3A = arith.andi %ne3A, %ne3A_200 : i1
      %sub3A = arith.constant 1 : i32
      %sub3A_201 = arith.subi %div3A, %sub3A : i32
      %select_n3A = arith.select %and3A, %sub3A_201, %div3A : i32
      %jit3A_202 = arith.constant 128 : i32
      %eq3A = arith.constant 0 : i32
      %eq3A_203 = arith.cmpi eq, %jit3A_202, %eq3A : i32
      %jit3A_204 = arith.constant 1 : i32
      %select_n3A_205 = arith.select %eq3A_203, %jit3A_204, %jit3A_202 : i32
      %rem3A_206 = arith.remsi %add3A_184, %select_n3A_205 : i32
      %ne3A_207 = arith.constant 0 : i32
      %ne3A_208 = arith.cmpi ne, %rem3A_206, %ne3A_207 : i32
      %lt3A_209 = arith.constant 0 : i32
      %lt3A_210 = arith.cmpi slt, %rem3A_206, %lt3A_209 : i32
      %lt3A_211 = arith.constant 0 : i32
      %lt3A_212 = arith.cmpi slt, %select_n3A_205, %lt3A_211 : i32
      %ne3A_213 = arith.xori %lt3A_210, %lt3A_212 : i1
      %and3A_214 = arith.andi %ne3A_213, %ne3A_208 : i1
      %add3A_215 = arith.addi %rem3A_206, %select_n3A_205 : i32
      %select_n3A_216 = arith.select %and3A_214, %add3A_215, %rem3A_206 : i32
      %mul3A_217 = arith.constant 8 : i32
      %mul3A_218 = arith.muli %select_n3A, %mul3A_217 : i32
      %add3A_219 = arith.constant 0 : i32
      %add3A_220 = arith.addi %mul3A_218, %add3A_219 : i32
      %mul3A_221 = arith.constant 1024 : i32
      %mul3A_222 = arith.muli %add3A_220, %mul3A_221 : i32
      %mul3A_223 = arith.constant 8 : i32
      %mul3A_224 = arith.muli %select_n3A_216, %mul3A_223 : i32
      %add3A_225 = arith.addi %mul3A_222, %mul3A_224 : i32
      %dma_start3A_226 = arith.constant 0 : i32
      %dma_start3A_227 = arith.constant 0 : i32
      %dma_start3A_228 = tpu.memref_slice %arg7[%rem3A_152, %dma_start3A_226, %dma_start3A_227] : memref<4x64x129xf32, #tpu.memory_space<vmem>> -> memref<1x8x128xf32, #tpu.memory_space<vmem>>
      %dma_start3A_229 = tpu.memref_squeeze %dma_start3A_228 : memref<1x8x128xf32, #tpu.memory_space<vmem>> -> memref<8x128xf32, #tpu.memory_space<vmem>>
      %dma_start3A_230 = arith.constant 0 : i32
      %dma_start3A_231 = tpu.memref_slice %arg4[%add3A_225, %dma_start3A_230] : memref<409600x128xf32, #tpu.memory_space<hbm>> -> memref<8x128xf32, #tpu.memory_space<hbm>>
      %dma_start3A_232 = tpu.memref_slice %arg9[%rem3A_152] : memref<4x!tpu.dma_semaphore, #tpu.memory_space<semaphore_mem>> -> memref<1x!tpu.dma_semaphore, #tpu.memory_space<semaphore_mem>>
      %dma_start3A_233 = tpu.memref_squeeze %dma_start3A_232 : memref<1x!tpu.dma_semaphore, #tpu.memory_space<semaphore_mem>> -> memref<!tpu.dma_semaphore, #tpu.memory_space<semaphore_mem>>
      %dma_start3A_234 = arith.constant 0 : i32
      %dma_start3A_235 = tpu.memref_slice %arg4[%add3A_225, %dma_start3A_234] : memref<409600x128xf32, #tpu.memory_space<hbm>> -> memref<8x128xf32, #tpu.memory_space<hbm>>
      %dma_start3A_236 = arith.constant 0 : i32
      %dma_start3A_237 = arith.constant 0 : i32
      %dma_start3A_238 = tpu.memref_slice %arg7[%rem3A_152, %dma_start3A_236, %dma_start3A_237] : memref<4x64x129xf32, #tpu.memory_space<vmem>> -> memref<1x8x128xf32, #tpu.memory_space<vmem>>
      %dma_start3A_239 = tpu.memref_squeeze %dma_start3A_238 : memref<1x8x128xf32, #tpu.memory_space<vmem>> -> memref<8x128xf32, #tpu.memory_space<vmem>>
      tpu.enqueue_dma source(%dma_start3A_239 : memref<8x128xf32, #tpu.memory_space<vmem>>) target(%dma_start3A_235 : memref<8x128xf32, #tpu.memory_space<hbm>>) target_semaphore(%dma_start3A_233 : memref<!tpu.dma_semaphore, #tpu.memory_space<semaphore_mem>>)
      %mul3A_240 = arith.constant 8 : i32
      %mul3A_241 = arith.muli %select_n3A, %mul3A_240 : i32
      %add3A_242 = arith.constant 1 : i32
      %add3A_243 = arith.addi %mul3A_241, %add3A_242 : i32
      %mul3A_244 = arith.constant 1024 : i32
      %mul3A_245 = arith.muli %add3A_243, %mul3A_244 : i32
      %mul3A_246 = arith.constant 8 : i32
      %mul3A_247 = arith.muli %select_n3A_216, %mul3A_246 : i32
      %add3A_248 = arith.addi %mul3A_245, %mul3A_247 : i32
      %dma_start3A_249 = arith.constant 8 : i32
      %dma_start3A_250 = arith.constant 0 : i32
      %dma_start3A_251 = tpu.memref_slice %arg7[%rem3A_152, %dma_start3A_249, %dma_start3A_250] : memref<4x64x129xf32, #tpu.memory_space<vmem>> -> memref<1x8x128xf32, #tpu.memory_space<vmem>>
      %dma_start3A_252 = tpu.memref_squeeze %dma_start3A_251 : memref<1x8x128xf32, #tpu.memory_space<vmem>> -> memref<8x128xf32, #tpu.memory_space<vmem>>
      %dma_start3A_253 = arith.constant 0 : i32
      %dma_start3A_254 = tpu.memref_slice %arg4[%add3A_248, %dma_start3A_253] : memref<409600x128xf32, #tpu.memory_space<hbm>> -> memref<8x128xf32, #tpu.memory_space<hbm>>
      %dma_start3A_255 = tpu.memref_slice %arg9[%rem3A_152] : memref<4x!tpu.dma_semaphore, #tpu.memory_space<semaphore_mem>> -> memref<1x!tpu.dma_semaphore, #tpu.memory_space<semaphore_mem>>
      %dma_start3A_256 = tpu.memref_squeeze %dma_start3A_255 : memref<1x!tpu.dma_semaphore, #tpu.memory_space<semaphore_mem>> -> memref<!tpu.dma_semaphore, #tpu.memory_space<semaphore_mem>>
      %dma_start3A_257 = arith.constant 0 : i32
      %dma_start3A_258 = tpu.memref_slice %arg4[%add3A_248, %dma_start3A_257] : memref<409600x128xf32, #tpu.memory_space<hbm>> -> memref<8x128xf32, #tpu.memory_space<hbm>>
      %dma_start3A_259 = arith.constant 8 : i32
      %dma_start3A_260 = arith.constant 0 : i32
      %dma_start3A_261 = tpu.memref_slice %arg7[%rem3A_152, %dma_start3A_259, %dma_start3A_260] : memref<4x64x129xf32, #tpu.memory_space<vmem>> -> memref<1x8x128xf32, #tpu.memory_space<vmem>>
      %dma_start3A_262 = tpu.memref_squeeze %dma_start3A_261 : memref<1x8x128xf32, #tpu.memory_space<vmem>> -> memref<8x128xf32, #tpu.memory_space<vmem>>
      tpu.enqueue_dma source(%dma_start3A_262 : memref<8x128xf32, #tpu.memory_space<vmem>>) target(%dma_start3A_258 : memref<8x128xf32, #tpu.memory_space<hbm>>) target_semaphore(%dma_start3A_256 : memref<!tpu.dma_semaphore, #tpu.memory_space<semaphore_mem>>)
      %mul3A_263 = arith.constant 8 : i32
      %mul3A_264 = arith.muli %select_n3A, %mul3A_263 : i32
      %add3A_265 = arith.constant 2 : i32
      %add3A_266 = arith.addi %mul3A_264, %add3A_265 : i32
      %mul3A_267 = arith.constant 1024 : i32
      %mul3A_268 = arith.muli %add3A_266, %mul3A_267 : i32
      %mul3A_269 = arith.constant 8 : i32
      %mul3A_270 = arith.muli %select_n3A_216, %mul3A_269 : i32
      %add3A_271 = arith.addi %mul3A_268, %mul3A_270 : i32
      %dma_start3A_272 = arith.constant 16 : i32
      %dma_start3A_273 = arith.constant 0 : i32
      %dma_start3A_274 = tpu.memref_slice %arg7[%rem3A_152, %dma_start3A_272, %dma_start3A_273] : memref<4x64x129xf32, #tpu.memory_space<vmem>> -> memref<1x8x128xf32, #tpu.memory_space<vmem>>
      %dma_start3A_275 = tpu.memref_squeeze %dma_start3A_274 : memref<1x8x128xf32, #tpu.memory_space<vmem>> -> memref<8x128xf32, #tpu.memory_space<vmem>>
      %dma_start3A_276 = arith.constant 0 : i32
      %dma_start3A_277 = tpu.memref_slice %arg4[%add3A_271, %dma_start3A_276] : memref<409600x128xf32, #tpu.memory_space<hbm>> -> memref<8x128xf32, #tpu.memory_space<hbm>>
      %dma_start3A_278 = tpu.memref_slice %arg9[%rem3A_152] : memref<4x!tpu.dma_semaphore, #tpu.memory_space<semaphore_mem>> -> memref<1x!tpu.dma_semaphore, #tpu.memory_space<semaphore_mem>>
      %dma_start3A_279 = tpu.memref_squeeze %dma_start3A_278 : memref<1x!tpu.dma_semaphore, #tpu.memory_space<semaphore_mem>> -> memref<!tpu.dma_semaphore, #tpu.memory_space<semaphore_mem>>
      %dma_start3A_280 = arith.constant 0 : i32
      %dma_start3A_281 = tpu.memref_slice %arg4[%add3A_271, %dma_start3A_280] : memref<409600x128xf32, #tpu.memory_space<hbm>> -> memref<8x128xf32, #tpu.memory_space<hbm>>
      %dma_start3A_282 = arith.constant 16 : i32
      %dma_start3A_283 = arith.constant 0 : i32
      %dma_start3A_284 = tpu.memref_slice %arg7[%rem3A_152, %dma_start3A_282, %dma_start3A_283] : memref<4x64x129xf32, #tpu.memory_space<vmem>> -> memref<1x8x128xf32, #tpu.memory_space<vmem>>
      %dma_start3A_285 = tpu.memref_squeeze %dma_start3A_284 : memref<1x8x128xf32, #tpu.memory_space<vmem>> -> memref<8x128xf32, #tpu.memory_space<vmem>>
      tpu.enqueue_dma source(%dma_start3A_285 : memref<8x128xf32, #tpu.memory_space<vmem>>) target(%dma_start3A_281 : memref<8x128xf32, #tpu.memory_space<hbm>>) target_semaphore(%dma_start3A_279 : memref<!tpu.dma_semaphore, #tpu.memory_space<semaphore_mem>>)
      %mul3A_286 = arith.constant 8 : i32
      %mul3A_287 = arith.muli %select_n3A, %mul3A_286 : i32
      %add3A_288 = arith.constant 3 : i32
      %add3A_289 = arith.addi %mul3A_287, %add3A_288 : i32
      %mul3A_290 = arith.constant 1024 : i32
      %mul3A_291 = arith.muli %add3A_289, %mul3A_290 : i32
      %mul3A_292 = arith.constant 8 : i32
      %mul3A_293 = arith.muli %select_n3A_216, %mul3A_292 : i32
      %add3A_294 = arith.addi %mul3A_291, %mul3A_293 : i32
      %dma_start3A_295 = arith.constant 24 : i32
      %dma_start3A_296 = arith.constant 0 : i32
      %dma_start3A_297 = tpu.memref_slice %arg7[%rem3A_152, %dma_start3A_295, %dma_start3A_296] : memref<4x64x129xf32, #tpu.memory_space<vmem>> -> memref<1x8x128xf32, #tpu.memory_space<vmem>>
      %dma_start3A_298 = tpu.memref_squeeze %dma_start3A_297 : memref<1x8x128xf32, #tpu.memory_space<vmem>> -> memref<8x128xf32, #tpu.memory_space<vmem>>
      %dma_start3A_299 = arith.constant 0 : i32
      %dma_start3A_300 = tpu.memref_slice %arg4[%add3A_294, %dma_start3A_299] : memref<409600x128xf32, #tpu.memory_space<hbm>> -> memref<8x128xf32, #tpu.memory_space<hbm>>
      %dma_start3A_301 = tpu.memref_slice %arg9[%rem3A_152] : memref<4x!tpu.dma_semaphore, #tpu.memory_space<semaphore_mem>> -> memref<1x!tpu.dma_semaphore, #tpu.memory_space<semaphore_mem>>
      %dma_start3A_302 = tpu.memref_squeeze %dma_start3A_301 : memref<1x!tpu.dma_semaphore, #tpu.memory_space<semaphore_mem>> -> memref<!tpu.dma_semaphore, #tpu.memory_space<semaphore_mem>>
      %dma_start3A_303 = arith.constant 0 : i32
      %dma_start3A_304 = tpu.memref_slice %arg4[%add3A_294, %dma_start3A_303] : memref<409600x128xf32, #tpu.memory_space<hbm>> -> memref<8x128xf32, #tpu.memory_space<hbm>>
      %dma_start3A_305 = arith.constant 24 : i32
      %dma_start3A_306 = arith.constant 0 : i32
      %dma_start3A_307 = tpu.memref_slice %arg7[%rem3A_152, %dma_start3A_305, %dma_start3A_306] : memref<4x64x129xf32, #tpu.memory_space<vmem>> -> memref<1x8x128xf32, #tpu.memory_space<vmem>>
      %dma_start3A_308 = tpu.memref_squeeze %dma_start3A_307 : memref<1x8x128xf32, #tpu.memory_space<vmem>> -> memref<8x128xf32, #tpu.memory_space<vmem>>
      tpu.enqueue_dma source(%dma_start3A_308 : memref<8x128xf32, #tpu.memory_space<vmem>>) target(%dma_start3A_304 : memref<8x128xf32, #tpu.memory_space<hbm>>) target_semaphore(%dma_start3A_302 : memref<!tpu.dma_semaphore, #tpu.memory_space<semaphore_mem>>)
      %mul3A_309 = arith.constant 8 : i32
      %mul3A_310 = arith.muli %select_n3A, %mul3A_309 : i32
      %add3A_311 = arith.constant 4 : i32
      %add3A_312 = arith.addi %mul3A_310, %add3A_311 : i32
      %mul3A_313 = arith.constant 1024 : i32
      %mul3A_314 = arith.muli %add3A_312, %mul3A_313 : i32
      %mul3A_315 = arith.constant 8 : i32
      %mul3A_316 = arith.muli %select_n3A_216, %mul3A_315 : i32
      %add3A_317 = arith.addi %mul3A_314, %mul3A_316 : i32
      %dma_start3A_318 = arith.constant 32 : i32
      %dma_start3A_319 = arith.constant 0 : i32
      %dma_start3A_320 = tpu.memref_slice %arg7[%rem3A_152, %dma_start3A_318, %dma_start3A_319] : memref<4x64x129xf32, #tpu.memory_space<vmem>> -> memref<1x8x128xf32, #tpu.memory_space<vmem>>
      %dma_start3A_321 = tpu.memref_squeeze %dma_start3A_320 : memref<1x8x128xf32, #tpu.memory_space<vmem>> -> memref<8x128xf32, #tpu.memory_space<vmem>>
      %dma_start3A_322 = arith.constant 0 : i32
      %dma_start3A_323 = tpu.memref_slice %arg4[%add3A_317, %dma_start3A_322] : memref<409600x128xf32, #tpu.memory_space<hbm>> -> memref<8x128xf32, #tpu.memory_space<hbm>>
      %dma_start3A_324 = tpu.memref_slice %arg9[%rem3A_152] : memref<4x!tpu.dma_semaphore, #tpu.memory_space<semaphore_mem>> -> memref<1x!tpu.dma_semaphore, #tpu.memory_space<semaphore_mem>>
      %dma_start3A_325 = tpu.memref_squeeze %dma_start3A_324 : memref<1x!tpu.dma_semaphore, #tpu.memory_space<semaphore_mem>> -> memref<!tpu.dma_semaphore, #tpu.memory_space<semaphore_mem>>
      %dma_start3A_326 = arith.constant 0 : i32
      %dma_start3A_327 = tpu.memref_slice %arg4[%add3A_317, %dma_start3A_326] : memref<409600x128xf32, #tpu.memory_space<hbm>> -> memref<8x128xf32, #tpu.memory_space<hbm>>
      %dma_start3A_328 = arith.constant 32 : i32
      %dma_start3A_329 = arith.constant 0 : i32
      %dma_start3A_330 = tpu.memref_slice %arg7[%rem3A_152, %dma_start3A_328, %dma_start3A_329] : memref<4x64x129xf32, #tpu.memory_space<vmem>> -> memref<1x8x128xf32, #tpu.memory_space<vmem>>
      %dma_start3A_331 = tpu.memref_squeeze %dma_start3A_330 : memref<1x8x128xf32, #tpu.memory_space<vmem>> -> memref<8x128xf32, #tpu.memory_space<vmem>>
      tpu.enqueue_dma source(%dma_start3A_331 : memref<8x128xf32, #tpu.memory_space<vmem>>) target(%dma_start3A_327 : memref<8x128xf32, #tpu.memory_space<hbm>>) target_semaphore(%dma_start3A_325 : memref<!tpu.dma_semaphore, #tpu.memory_space<semaphore_mem>>)
      %mul3A_332 = arith.constant 8 : i32
      %mul3A_333 = arith.muli %select_n3A, %mul3A_332 : i32
      %add3A_334 = arith.constant 5 : i32
      %add3A_335 = arith.addi %mul3A_333, %add3A_334 : i32
      %mul3A_336 = arith.constant 1024 : i32
      %mul3A_337 = arith.muli %add3A_335, %mul3A_336 : i32
      %mul3A_338 = arith.constant 8 : i32
      %mul3A_339 = arith.muli %select_n3A_216, %mul3A_338 : i32
      %add3A_340 = arith.addi %mul3A_337, %mul3A_339 : i32
      %dma_start3A_341 = arith.constant 40 : i32
      %dma_start3A_342 = arith.constant 0 : i32
      %dma_start3A_343 = tpu.memref_slice %arg7[%rem3A_152, %dma_start3A_341, %dma_start3A_342] : memref<4x64x129xf32, #tpu.memory_space<vmem>> -> memref<1x8x128xf32, #tpu.memory_space<vmem>>
      %dma_start3A_344 = tpu.memref_squeeze %dma_start3A_343 : memref<1x8x128xf32, #tpu.memory_space<vmem>> -> memref<8x128xf32, #tpu.memory_space<vmem>>
      %dma_start3A_345 = arith.constant 0 : i32
      %dma_start3A_346 = tpu.memref_slice %arg4[%add3A_340, %dma_start3A_345] : memref<409600x128xf32, #tpu.memory_space<hbm>> -> memref<8x128xf32, #tpu.memory_space<hbm>>
      %dma_start3A_347 = tpu.memref_slice %arg9[%rem3A_152] : memref<4x!tpu.dma_semaphore, #tpu.memory_space<semaphore_mem>> -> memref<1x!tpu.dma_semaphore, #tpu.memory_space<semaphore_mem>>
      %dma_start3A_348 = tpu.memref_squeeze %dma_start3A_347 : memref<1x!tpu.dma_semaphore, #tpu.memory_space<semaphore_mem>> -> memref<!tpu.dma_semaphore, #tpu.memory_space<semaphore_mem>>
      %dma_start3A_349 = arith.constant 0 : i32
      %dma_start3A_350 = tpu.memref_slice %arg4[%add3A_340, %dma_start3A_349] : memref<409600x128xf32, #tpu.memory_space<hbm>> -> memref<8x128xf32, #tpu.memory_space<hbm>>
      %dma_start3A_351 = arith.constant 40 : i32
      %dma_start3A_352 = arith.constant 0 : i32
      %dma_start3A_353 = tpu.memref_slice %arg7[%rem3A_152, %dma_start3A_351, %dma_start3A_352] : memref<4x64x129xf32, #tpu.memory_space<vmem>> -> memref<1x8x128xf32, #tpu.memory_space<vmem>>
      %dma_start3A_354 = tpu.memref_squeeze %dma_start3A_353 : memref<1x8x128xf32, #tpu.memory_space<vmem>> -> memref<8x128xf32, #tpu.memory_space<vmem>>
      tpu.enqueue_dma source(%dma_start3A_354 : memref<8x128xf32, #tpu.memory_space<vmem>>) target(%dma_start3A_350 : memref<8x128xf32, #tpu.memory_space<hbm>>) target_semaphore(%dma_start3A_348 : memref<!tpu.dma_semaphore, #tpu.memory_space<semaphore_mem>>)
      %mul3A_355 = arith.constant 8 : i32
      %mul3A_356 = arith.muli %select_n3A, %mul3A_355 : i32
      %add3A_357 = arith.constant 6 : i32
      %add3A_358 = arith.addi %mul3A_356, %add3A_357 : i32
      %mul3A_359 = arith.constant 1024 : i32
      %mul3A_360 = arith.muli %add3A_358, %mul3A_359 : i32
      %mul3A_361 = arith.constant 8 : i32
      %mul3A_362 = arith.muli %select_n3A_216, %mul3A_361 : i32
      %add3A_363 = arith.addi %mul3A_360, %mul3A_362 : i32
      %dma_start3A_364 = arith.constant 48 : i32
      %dma_start3A_365 = arith.constant 0 : i32
      %dma_start3A_366 = tpu.memref_slice %arg7[%rem3A_152, %dma_start3A_364, %dma_start3A_365] : memref<4x64x129xf32, #tpu.memory_space<vmem>> -> memref<1x8x128xf32, #tpu.memory_space<vmem>>
      %dma_start3A_367 = tpu.memref_squeeze %dma_start3A_366 : memref<1x8x128xf32, #tpu.memory_space<vmem>> -> memref<8x128xf32, #tpu.memory_space<vmem>>
      %dma_start3A_368 = arith.constant 0 : i32
      %dma_start3A_369 = tpu.memref_slice %arg4[%add3A_363, %dma_start3A_368] : memref<409600x128xf32, #tpu.memory_space<hbm>> -> memref<8x128xf32, #tpu.memory_space<hbm>>
      %dma_start3A_370 = tpu.memref_slice %arg9[%rem3A_152] : memref<4x!tpu.dma_semaphore, #tpu.memory_space<semaphore_mem>> -> memref<1x!tpu.dma_semaphore, #tpu.memory_space<semaphore_mem>>
      %dma_start3A_371 = tpu.memref_squeeze %dma_start3A_370 : memref<1x!tpu.dma_semaphore, #tpu.memory_space<semaphore_mem>> -> memref<!tpu.dma_semaphore, #tpu.memory_space<semaphore_mem>>
      %dma_start3A_372 = arith.constant 0 : i32
      %dma_start3A_373 = tpu.memref_slice %arg4[%add3A_363, %dma_start3A_372] : memref<409600x128xf32, #tpu.memory_space<hbm>> -> memref<8x128xf32, #tpu.memory_space<hbm>>
      %dma_start3A_374 = arith.constant 48 : i32
      %dma_start3A_375 = arith.constant 0 : i32
      %dma_start3A_376 = tpu.memref_slice %arg7[%rem3A_152, %dma_start3A_374, %dma_start3A_375] : memref<4x64x129xf32, #tpu.memory_space<vmem>> -> memref<1x8x128xf32, #tpu.memory_space<vmem>>
      %dma_start3A_377 = tpu.memref_squeeze %dma_start3A_376 : memref<1x8x128xf32, #tpu.memory_space<vmem>> -> memref<8x128xf32, #tpu.memory_space<vmem>>
      tpu.enqueue_dma source(%dma_start3A_377 : memref<8x128xf32, #tpu.memory_space<vmem>>) target(%dma_start3A_373 : memref<8x128xf32, #tpu.memory_space<hbm>>) target_semaphore(%dma_start3A_371 : memref<!tpu.dma_semaphore, #tpu.memory_space<semaphore_mem>>)
      %mul3A_378 = arith.constant 8 : i32
      %mul3A_379 = arith.muli %select_n3A, %mul3A_378 : i32
      %add3A_380 = arith.constant 7 : i32
      %add3A_381 = arith.addi %mul3A_379, %add3A_380 : i32
      %mul3A_382 = arith.constant 1024 : i32
      %mul3A_383 = arith.muli %add3A_381, %mul3A_382 : i32
      %mul3A_384 = arith.constant 8 : i32
      %mul3A_385 = arith.muli %select_n3A_216, %mul3A_384 : i32
      %add3A_386 = arith.addi %mul3A_383, %mul3A_385 : i32
      %dma_start3A_387 = arith.constant 56 : i32
      %dma_start3A_388 = arith.constant 0 : i32
      %dma_start3A_389 = tpu.memref_slice %arg7[%rem3A_152, %dma_start3A_387, %dma_start3A_388] : memref<4x64x129xf32, #tpu.memory_space<vmem>> -> memref<1x8x128xf32, #tpu.memory_space<vmem>>
      %dma_start3A_390 = tpu.memref_squeeze %dma_start3A_389 : memref<1x8x128xf32, #tpu.memory_space<vmem>> -> memref<8x128xf32, #tpu.memory_space<vmem>>
      %dma_start3A_391 = arith.constant 0 : i32
      %dma_start3A_392 = tpu.memref_slice %arg4[%add3A_386, %dma_start3A_391] : memref<409600x128xf32, #tpu.memory_space<hbm>> -> memref<8x128xf32, #tpu.memory_space<hbm>>
      %dma_start3A_393 = tpu.memref_slice %arg9[%rem3A_152] : memref<4x!tpu.dma_semaphore, #tpu.memory_space<semaphore_mem>> -> memref<1x!tpu.dma_semaphore, #tpu.memory_space<semaphore_mem>>
      %dma_start3A_394 = tpu.memref_squeeze %dma_start3A_393 : memref<1x!tpu.dma_semaphore, #tpu.memory_space<semaphore_mem>> -> memref<!tpu.dma_semaphore, #tpu.memory_space<semaphore_mem>>
      %dma_start3A_395 = arith.constant 0 : i32
      %dma_start3A_396 = tpu.memref_slice %arg4[%add3A_386, %dma_start3A_395] : memref<409600x128xf32, #tpu.memory_space<hbm>> -> memref<8x128xf32, #tpu.memory_space<hbm>>
      %dma_start3A_397 = arith.constant 56 : i32
      %dma_start3A_398 = arith.constant 0 : i32
      %dma_start3A_399 = tpu.memref_slice %arg7[%rem3A_152, %dma_start3A_397, %dma_start3A_398] : memref<4x64x129xf32, #tpu.memory_space<vmem>> -> memref<1x8x128xf32, #tpu.memory_space<vmem>>
      %dma_start3A_400 = tpu.memref_squeeze %dma_start3A_399 : memref<1x8x128xf32, #tpu.memory_space<vmem>> -> memref<8x128xf32, #tpu.memory_space<vmem>>
      tpu.enqueue_dma source(%dma_start3A_400 : memref<8x128xf32, #tpu.memory_space<vmem>>) target(%dma_start3A_396 : memref<8x128xf32, #tpu.memory_space<hbm>>) target_semaphore(%dma_start3A_394 : memref<!tpu.dma_semaphore, #tpu.memory_space<semaphore_mem>>)
    }
    %scan3A_75 = arith.constant 200 : i32
    %dma_wait3A = arith.constant 0 : i32
    %dma_wait3A_76 = arith.constant 0 : i32
    %dma_wait3A_77 = arith.constant 0 : i32
    %dma_wait3A_78 = arith.constant 0 : i32
    %dma_wait3A_79 = tpu.memref_slice %arg7[%dma_wait3A, %dma_wait3A_77, %dma_wait3A_78] : memref<4x64x129xf32, #tpu.memory_space<vmem>> -> memref<1x64x128xf32, #tpu.memory_space<vmem>>
    %dma_wait3A_80 = tpu.memref_squeeze %dma_wait3A_79 : memref<1x64x128xf32, #tpu.memory_space<vmem>> -> memref<64x128xf32, #tpu.memory_space<vmem>>
    %dma_wait3A_81 = arith.constant 0 : i32
    %dma_wait3A_82 = arith.constant 0 : i32
    %dma_wait3A_83 = tpu.memref_slice %arg4[%dma_wait3A_81, %dma_wait3A_82] : memref<409600x128xf32, #tpu.memory_space<hbm>> -> memref<64x128xf32, #tpu.memory_space<hbm>>
    %dma_wait3A_84 = tpu.memref_slice %arg9[%dma_wait3A_76] : memref<4x!tpu.dma_semaphore, #tpu.memory_space<semaphore_mem>> -> memref<1x!tpu.dma_semaphore, #tpu.memory_space<semaphore_mem>>
    %dma_wait3A_85 = tpu.memref_squeeze %dma_wait3A_84 : memref<1x!tpu.dma_semaphore, #tpu.memory_space<semaphore_mem>> -> memref<!tpu.dma_semaphore, #tpu.memory_space<semaphore_mem>>
    %dma_wait3A_86 = arith.constant 0 : i32
    %dma_wait3A_87 = arith.constant 0 : i32
    %dma_wait3A_88 = tpu.memref_slice %arg4[%dma_wait3A_86, %dma_wait3A_87] : memref<409600x128xf32, #tpu.memory_space<hbm>> -> memref<64x128xf32, #tpu.memory_space<hbm>>
    %dma_wait3A_89 = arith.constant 0 : i32
    %dma_wait3A_90 = arith.constant 0 : i32
    %dma_wait3A_91 = tpu.memref_slice %arg7[%dma_wait3A, %dma_wait3A_89, %dma_wait3A_90] : memref<4x64x129xf32, #tpu.memory_space<vmem>> -> memref<1x64x128xf32, #tpu.memory_space<vmem>>
    %dma_wait3A_92 = tpu.memref_squeeze %dma_wait3A_91 : memref<1x64x128xf32, #tpu.memory_space<vmem>> -> memref<64x128xf32, #tpu.memory_space<vmem>>
    tpu.wait_dma2 semaphore(%dma_wait3A_85 : memref<!tpu.dma_semaphore, #tpu.memory_space<semaphore_mem>>) src(%dma_wait3A_92 : memref<64x128xf32, #tpu.memory_space<vmem>>) dst(%dma_wait3A_88 : memref<64x128xf32, #tpu.memory_space<hbm>>)
    %dma_wait3A_93 = arith.constant 1 : i32
    %dma_wait3A_94 = arith.constant 1 : i32
    %dma_wait3A_95 = arith.constant 0 : i32
    %dma_wait3A_96 = arith.constant 0 : i32
    %dma_wait3A_97 = tpu.memref_slice %arg7[%dma_wait3A_93, %dma_wait3A_95, %dma_wait3A_96] : memref<4x64x129xf32, #tpu.memory_space<vmem>> -> memref<1x64x128xf32, #tpu.memory_space<vmem>>
    %dma_wait3A_98 = tpu.memref_squeeze %dma_wait3A_97 : memref<1x64x128xf32, #tpu.memory_space<vmem>> -> memref<64x128xf32, #tpu.memory_space<vmem>>
    %dma_wait3A_99 = arith.constant 0 : i32
    %dma_wait3A_100 = arith.constant 0 : i32
    %dma_wait3A_101 = tpu.memref_slice %arg4[%dma_wait3A_99, %dma_wait3A_100] : memref<409600x128xf32, #tpu.memory_space<hbm>> -> memref<64x128xf32, #tpu.memory_space<hbm>>
    %dma_wait3A_102 = tpu.memref_slice %arg9[%dma_wait3A_94] : memref<4x!tpu.dma_semaphore, #tpu.memory_space<semaphore_mem>> -> memref<1x!tpu.dma_semaphore, #tpu.memory_space<semaphore_mem>>
    %dma_wait3A_103 = tpu.memref_squeeze %dma_wait3A_102 : memref<1x!tpu.dma_semaphore, #tpu.memory_space<semaphore_mem>> -> memref<!tpu.dma_semaphore, #tpu.memory_space<semaphore_mem>>
    %dma_wait3A_104 = arith.constant 0 : i32
    %dma_wait3A_105 = arith.constant 0 : i32
    %dma_wait3A_106 = tpu.memref_slice %arg4[%dma_wait3A_104, %dma_wait3A_105] : memref<409600x128xf32, #tpu.memory_space<hbm>> -> memref<64x128xf32, #tpu.memory_space<hbm>>
    %dma_wait3A_107 = arith.constant 0 : i32
    %dma_wait3A_108 = arith.constant 0 : i32
    %dma_wait3A_109 = tpu.memref_slice %arg7[%dma_wait3A_93, %dma_wait3A_107, %dma_wait3A_108] : memref<4x64x129xf32, #tpu.memory_space<vmem>> -> memref<1x64x128xf32, #tpu.memory_space<vmem>>
    %dma_wait3A_110 = tpu.memref_squeeze %dma_wait3A_109 : memref<1x64x128xf32, #tpu.memory_space<vmem>> -> memref<64x128xf32, #tpu.memory_space<vmem>>
    tpu.wait_dma2 semaphore(%dma_wait3A_103 : memref<!tpu.dma_semaphore, #tpu.memory_space<semaphore_mem>>) src(%dma_wait3A_110 : memref<64x128xf32, #tpu.memory_space<vmem>>) dst(%dma_wait3A_106 : memref<64x128xf32, #tpu.memory_space<hbm>>)
    %dma_wait3A_111 = arith.constant 2 : i32
    %dma_wait3A_112 = arith.constant 2 : i32
    %dma_wait3A_113 = arith.constant 0 : i32
    %dma_wait3A_114 = arith.constant 0 : i32
    %dma_wait3A_115 = tpu.memref_slice %arg7[%dma_wait3A_111, %dma_wait3A_113, %dma_wait3A_114] : memref<4x64x129xf32, #tpu.memory_space<vmem>> -> memref<1x64x128xf32, #tpu.memory_space<vmem>>
    %dma_wait3A_116 = tpu.memref_squeeze %dma_wait3A_115 : memref<1x64x128xf32, #tpu.memory_space<vmem>> -> memref<64x128xf32, #tpu.memory_space<vmem>>
    %dma_wait3A_117 = arith.constant 0 : i32
    %dma_wait3A_118 = arith.constant 0 : i32
    %dma_wait3A_119 = tpu.memref_slice %arg4[%dma_wait3A_117, %dma_wait3A_118] : memref<409600x128xf32, #tpu.memory_space<hbm>> -> memref<64x128xf32, #tpu.memory_space<hbm>>
    %dma_wait3A_120 = tpu.memref_slice %arg9[%dma_wait3A_112] : memref<4x!tpu.dma_semaphore, #tpu.memory_space<semaphore_mem>> -> memref<1x!tpu.dma_semaphore, #tpu.memory_space<semaphore_mem>>
    %dma_wait3A_121 = tpu.memref_squeeze %dma_wait3A_120 : memref<1x!tpu.dma_semaphore, #tpu.memory_space<semaphore_mem>> -> memref<!tpu.dma_semaphore, #tpu.memory_space<semaphore_mem>>
    %dma_wait3A_122 = arith.constant 0 : i32
    %dma_wait3A_123 = arith.constant 0 : i32
    %dma_wait3A_124 = tpu.memref_slice %arg4[%dma_wait3A_122, %dma_wait3A_123] : memref<409600x128xf32, #tpu.memory_space<hbm>> -> memref<64x128xf32, #tpu.memory_space<hbm>>
    %dma_wait3A_125 = arith.constant 0 : i32
    %dma_wait3A_126 = arith.constant 0 : i32
    %dma_wait3A_127 = tpu.memref_slice %arg7[%dma_wait3A_111, %dma_wait3A_125, %dma_wait3A_126] : memref<4x64x129xf32, #tpu.memory_space<vmem>> -> memref<1x64x128xf32, #tpu.memory_space<vmem>>
    %dma_wait3A_128 = tpu.memref_squeeze %dma_wait3A_127 : memref<1x64x128xf32, #tpu.memory_space<vmem>> -> memref<64x128xf32, #tpu.memory_space<vmem>>
    tpu.wait_dma2 semaphore(%dma_wait3A_121 : memref<!tpu.dma_semaphore, #tpu.memory_space<semaphore_mem>>) src(%dma_wait3A_128 : memref<64x128xf32, #tpu.memory_space<vmem>>) dst(%dma_wait3A_124 : memref<64x128xf32, #tpu.memory_space<hbm>>)
    %dma_wait3A_129 = arith.constant 3 : i32
    %dma_wait3A_130 = arith.constant 3 : i32
    %dma_wait3A_131 = arith.constant 0 : i32
    %dma_wait3A_132 = arith.constant 0 : i32
    %dma_wait3A_133 = tpu.memref_slice %arg7[%dma_wait3A_129, %dma_wait3A_131, %dma_wait3A_132] : memref<4x64x129xf32, #tpu.memory_space<vmem>> -> memref<1x64x128xf32, #tpu.memory_space<vmem>>
    %dma_wait3A_134 = tpu.memref_squeeze %dma_wait3A_133 : memref<1x64x128xf32, #tpu.memory_space<vmem>> -> memref<64x128xf32, #tpu.memory_space<vmem>>
    %dma_wait3A_135 = arith.constant 0 : i32
    %dma_wait3A_136 = arith.constant 0 : i32
    %dma_wait3A_137 = tpu.memref_slice %arg4[%dma_wait3A_135, %dma_wait3A_136] : memref<409600x128xf32, #tpu.memory_space<hbm>> -> memref<64x128xf32, #tpu.memory_space<hbm>>
    %dma_wait3A_138 = tpu.memref_slice %arg9[%dma_wait3A_130] : memref<4x!tpu.dma_semaphore, #tpu.memory_space<semaphore_mem>> -> memref<1x!tpu.dma_semaphore, #tpu.memory_space<semaphore_mem>>
    %dma_wait3A_139 = tpu.memref_squeeze %dma_wait3A_138 : memref<1x!tpu.dma_semaphore, #tpu.memory_space<semaphore_mem>> -> memref<!tpu.dma_semaphore, #tpu.memory_space<semaphore_mem>>
    %dma_wait3A_140 = arith.constant 0 : i32
    %dma_wait3A_141 = arith.constant 0 : i32
    %dma_wait3A_142 = tpu.memref_slice %arg4[%dma_wait3A_140, %dma_wait3A_141] : memref<409600x128xf32, #tpu.memory_space<hbm>> -> memref<64x128xf32, #tpu.memory_space<hbm>>
    %dma_wait3A_143 = arith.constant 0 : i32
    %dma_wait3A_144 = arith.constant 0 : i32
    %dma_wait3A_145 = tpu.memref_slice %arg7[%dma_wait3A_129, %dma_wait3A_143, %dma_wait3A_144] : memref<4x64x129xf32, #tpu.memory_space<vmem>> -> memref<1x64x128xf32, #tpu.memory_space<vmem>>
    %dma_wait3A_146 = tpu.memref_squeeze %dma_wait3A_145 : memref<1x64x128xf32, #tpu.memory_space<vmem>> -> memref<64x128xf32, #tpu.memory_space<vmem>>
    tpu.wait_dma2 semaphore(%dma_wait3A_139 : memref<!tpu.dma_semaphore, #tpu.memory_space<semaphore_mem>>) src(%dma_wait3A_146 : memref<64x128xf32, #tpu.memory_space<vmem>>) dst(%dma_wait3A_142 : memref<64x128xf32, #tpu.memory_space<hbm>>)
    return
  }
}

</mosaic_0001>

<sc_bundles>
// kernel: kernel.3.cloned.1.call-start
scs
__scs_entry_jumppad:
0x0: {  	(pc) =	sbr.rel $0x88, $3  }
0x1: {  	(tag) =	ssettag $0x0;
	lr =	simm.s32 $0x1  }
0x2: {  	[smem:$0x3F9F] =	sst lr;
	_ =	strace $0xD0000000  }
0x3: {  	_ = 	snop  }
0x4: {  	_ = 	snop  }
0x5: {  	_ = 	snop  }
0x6: {  	_ = 	snop  }
0x7: {  	_ = 	snop  }
__scs_overlays_trampoline_lowered:
0x8: {  	[smem:$0x3FAE] =	sst s0  }
0x9: {  	[smem:$0x3FAF] =	sst s1  }
0xa: {  	[smem:$0x3FB0] =	sst s2  }
0xb: {  	[smem:$0x3FB1] =	sst s3  }
0xc: {  	[smem:$0x3FB2] =	sst s4  }
0xd: {  	[smem:$0x3FB3] =	sst s5  }
0xe: {  	[smem:$0x3FB4] =	sst s6  }
0xf: {  	[smem:$0x3FB5] =	sst s7  }
0x10: {  	[smem:$0x3FB6] =	sst s8  }
0x11: {  	[smem:$0x3FB7] =	sst s9;
	s0 =	simm.s32 @!p0 $0x0  }
0x12: {  	s1 =	sld [smem:$0x3F9D];
	s0 =	simm.s32 @p0 $0x1  }
0x13: {  	[smem:$0x3FB8] =	sst s0;
	s0 =	simm.s32 @!p1 $0x0  }
0x14: {  	s2 =	sld [smem:$0x3F9C];
	s0 =	simm.s32 @p1 $0x1  }
0x15: {  	[smem:$0x3FB9] =	sst s0;
	s0 =	simm.s32 @!p2 $0x0  }
0x16: {  	s3 =	sld [smem:$0x3FDB];
	s0 =	simm.s32 @p2 $0x1  }
0x17: {  	s4 =	simm.s32 $0x1BF5;
	[smem:$0x3FBB] =	sst s0  }
0x18: {  	s0 =	sld [smem:$0x3F9E];
	_ =	swait.ge [sflag:s4], $0x0  }
0x19: {  	s7 =	sld [smem:$0x3F9F]  }
0x1a: {  	s8 =	sadd.s32 $0xFFFFE003, lr  }
0x1b: {  	s9 =	sadd.s32 $0xFFFFFEF7, lr;
	s5 =	simm.s32 $0xFFFFFFFF;
	p2 =	slt.u32 s8, $0xFFFFF086  }
0x1c: {  	p1 =	slt.u32 s9, $0xF7A;
	s5 =	simm.s32 @!p2 $0x0  }
0x1d: {  	s5 =	simm.s32 @p1 $0x1;
	p0 =	seq.s32 s7, s2  }
0x1e: {  	s7 =	smul.u32 @!p0 $0xF7A, s2;
	p2 =	seq.s32 @!p0 s5, $0x0  }
0x1f: {  	s9 =	smul.u32 $0xF7A, s1;
	s8 =	simm.s32 @!p0 $0x1BF5;
	p2 =	por !p2, p0  }
0x20: {  	[sflag:s8] =	ssyncset.s32 @!p0 $0xFFFFF086;
	s6 =	sadd.s32 @!p0 s3, s7;
	s7 =	simm.s32 @!p0 $0x108  }
0x21: {  	s3 =	sadd.s32 s3, s9;
	s6 =	sadd.s32 @!p0 $0x88, s6;
	s7 =	simm.s32 @p2 $0x1082  }
0x22: {  	[simem:s7], [sflag:s8] =	dma.local @!p0 [hbm:s6], $0xF7A  }
0x23: {  	s9 =	sor.u32 $0xD0000000, s2;
	s6 =	simm.s32 $0x108;
	_ =	swait.ge @!p0 [sflag:s8], $0x0  }
0x24: {  	s3 =	sadd.s32 $0x88, s3;
	s6 =	simm.s32 @!p1 $0x1082;
	[sflag:s4] =	ssyncset.s32 $0xFFFFF086  }
0x25: {  	[simem:s6], [sflag:s4] =	dma.local [hbm:s3], $0xF7A  }
0x26: {  	[smem:$0x3F9F] =	sst s1;
	(tag) =	ssettag s2;
	_ =	strace s9  }
0x27: {  	s1 =	sld [smem:$0x3FAF]  }
0x28: {  	s2 =	sld [smem:$0x3FB0]  }
0x29: {  	s4 =	sld [smem:$0x3FB2]  }
0x2a: {  	p0 =	seq.s32 s5, $0x0;
	s5 =	sld [smem:$0x3FB3]  }
0x2b: {  	s6 =	sld [smem:$0x3FB4]  }
0x2c: {  	s7 =	sld [smem:$0x3FB5]  }
0x2d: {  	s3 =	simm.s32 $0x108;
	s8 =	sld [smem:$0x3FB6]  }
0x2e: {  	s3 =	simm.s32 @!p0 $0x1082;
	s9 =	sld [smem:$0x3FB7]  }
0x2f: {  	lr =	sadd.s32 s0, s3;
	s0 =	sld [smem:$0x3FAE]  }
0x30: {  	s3 =	sld [smem:$0x3FB1]  }
0x31: {  	[smem:$0x3FBA] =	sst s10  }
0x32: {  	s10 =	sld [smem:$0x3FB8];
	_ =	sdelay $0x3  }
0x33: {  	p0 =	seq.s32 s10, $0x1;
	s10 =	sld [smem:$0x3FBA];
	_ =	sdelay $0x3  }
0x34: {  	[smem:$0x3FBA] =	sst s10  }
0x35: {  	s10 =	sld [smem:$0x3FB9];
	_ =	sdelay $0x3  }
0x36: {  	p1 =	seq.s32 s10, $0x1;
	s10 =	sld [smem:$0x3FBA];
	_ =	sdelay $0x3  }
0x37: {  	[smem:$0x3FBA] =	sst s10  }
0x38: {  	s10 =	sld [smem:$0x3FBB]  }
0x39: {  	_ = 	snop;
	(pc) =	sbr.ind lr, $3  }
0x3a: {  	_ = 	snop  }
0x3b: {  	_ = 	snop  }
0x3c: {  	p2 =	seq.s32 s10, $0x1;
	s10 =	sld [smem:$0x3FBA]  }
0x3d: {  	_ =	shalt  }
0x3e: {  	_ =	shalt  }
0x3f: {  	_ =	shalt  }
0x40: {  	_ =	shalt  }
0x41: {  	_ =	shalt  }
0x42: {  	_ =	shalt  }
0x43: {  	_ =	shalt  }
0x44: {  	_ =	shalt  }
0x45: {  	_ =	shalt  }
0x46: {  	_ =	shalt  }
0x47: {  	_ =	shalt  }
0x48: {  	_ =	shalt  }
0x49: {  	_ =	shalt  }
0x4a: {  	_ =	shalt  }
0x4b: {  	_ =	shalt  }
0x4c: {  	_ =	shalt  }
0x4d: {  	_ =	shalt  }
0x4e: {  	_ =	shalt  }
0x4f: {  	_ =	shalt  }
0x50: {  	_ =	shalt  }
0x51: {  	_ =	shalt  }
0x52: {  	_ =	shalt  }
0x53: {  	_ =	shalt  }
0x54: {  	_ =	shalt  }
0x55: {  	_ =	shalt  }
0x56: {  	_ =	shalt  }
0x57: {  	_ =	shalt  }
0x58: {  	_ =	shalt  }
0x59: {  	_ =	shalt  }
0x5a: {  	_ =	shalt  }
0x5b: {  	_ =	shalt  }
0x5c: {  	_ =	shalt  }
0x5d: {  	_ =	shalt  }
0x5e: {  	_ =	shalt  }
0x5f: {  	_ =	shalt  }
0x60: {  	_ =	shalt  }
0x61: {  	_ =	shalt  }
0x62: {  	_ =	shalt  }
0x63: {  	_ =	shalt  }
0x64: {  	_ =	shalt  }
0x65: {  	_ =	shalt  }
0x66: {  	_ =	shalt  }
0x67: {  	_ =	shalt  }
0x68: {  	_ =	shalt  }
0x69: {  	_ =	shalt  }
0x6a: {  	_ =	shalt  }
0x6b: {  	_ =	shalt  }
0x6c: {  	_ =	shalt  }
0x6d: {  	_ =	shalt  }
0x6e: {  	_ =	shalt  }
0x6f: {  	_ =	shalt  }
0x70: {  	_ =	shalt  }
0x71: {  	_ =	shalt  }
0x72: {  	_ =	shalt  }
0x73: {  	_ =	shalt  }
0x74: {  	_ =	shalt  }
0x75: {  	_ =	shalt  }
0x76: {  	_ =	shalt  }
0x77: {  	_ =	shalt  }
0x78: {  	_ =	shalt  }
0x79: {  	_ =	shalt  }
0x7a: {  	_ =	shalt  }
0x7b: {  	_ =	shalt  }
0x7c: {  	_ =	shalt  }
0x7d: {  	_ =	shalt  }
0x7e: {  	_ =	shalt  }
0x7f: {  	_ =	shalt  }
0x80: {  	_ =	shalt  }
0x81: {  	_ =	shalt  }
0x82: {  	_ =	shalt  }
0x83: {  	_ =	shalt  }
0x84: {  	_ =	shalt  }
0x85: {  	_ =	shalt  }
0x86: {  	_ =	shalt  }
0x87: {  	_ =	shalt  }
.Lfunc_end0:
.L_simem_size_0:
called_computation_lowered:
.L_overlay_start_0:
0x88: {  	s2 =	sld [smem:$0x3FD9]  }
0x89: {  	s3 =	sld [smem:$0x3FFE];
	_ =	sdelay $0x1  }
0x8a: {  	s1 =	srdreg.scid  }
0x8b: {  	s0 =	sand.u32 $0x1, s1  }
0x8c: {  	s17 =	sshll.u32 s0, $0xA;
	s2 =	sadd.s32 s3, s2  }
0x8d: {  	s2 =	sadd.s32 s2, s17  }
0x8e: {  	[smem:$0x3FC6] =	sst s2  }
0x8f: {  	_ = 	snop  }
0x90: {  	s2 =	sld [smem:$0x3FD0];
	(tm) =	ssettm $0x1  }
0x91: {  	s18 =	sld [smem:$0x3FFB];
	_ =	sdelay $0x3  }
0x92: {  	_ =	strace s18  }
0x93: {  	s3 =	sld [smem:$0x3FFC];
	_ =	sdelay $0x3  }
0x94: {  	_ =	strace s3  }
0x95: {  	s3 =	sld [smem:$0x3FFD];
	_ =	sdelay $0x3  }
0x96: {  	_ =	strace s3  }
0x97: {  	_ =	strace $0x8FFFFFFF  }
0x98: {  	s19 =	sld [smem:$0x3FDB];
	_ =	sdelay $0x1  }
0x99: {  	s4 =	simm.s32 $_scs_section_size  }
0x9a: {  	s5 =	simm.s32 $_size__tile_overlayer_lowered;
	s6 =	simm.s32 $_tile_overlayer_lowered  }
0x9b: {  	s22 =	simm.s32 $0x1BFF;
	s21 =	sshll.u32 s6, $0x1;
	s3 =	sadd.s32 s4, s19  }
0x9c: {  	s7 =	simm.s32 $0x0;
	s20 =	sshll.u32 s5, $0x1;
	s5 =	sadd.s32 s21, s3  }
0x9d: {  	[timem:s7], [sflag:s22] =	dma.local [hbm:s5], s20  }
0x9e: {  	_ =	swait.ge [sflag:s22], s20  }
0x9f: {  	s4 =	ssub.s32 $0x0, s20;
	[sflag:s22] =	ssyncset.done $0x0  }
0xa0: {  	[sflag:s22] =	ssyncadd.s32 s4;
	_ =	sdelay $0x1  }
0xa1: {  	s23 =	simm.s32 $0x1B8B  }
0xa2: {  	_ =	swait.ge [sflag:s23], $0x1  }
0xa3: {  	[sflag:s23] =	ssyncset.done $0x0  }
0xa4: {  	s25 =	simm.s32 $0x1B8E;
	s24 =	sld [smem:$0x3FFE];
	[sflag:s23] =	ssyncadd.s32 $0xFFFFFFFF  }
0xa5: {  	s26 =	simm.s32 $execute0_lowered;
	[smem:$0x3FD2] =	sst s25  }
0xa6: {  	s5 =	sshll.u32 s26, $0x1;
	_ =	strace $0x80000046;
	[dreg:$0x1] =	wrdreg $0xFFFFFFFF  }
0xa7: {  	s28 =	simm.s32 $_size_execute0_lowered;
	s3 =	sadd.s32 s3, s5;
	[dreg:$0x0] =	wrdreg $0x0  }
0xa8: {  	s5 =	sshll.u32 s28, $0x1;
	[dreg:$0x2] =	wrdreg s3  }
0xa9: {  	[dreg:$0x3] =	wrdreg s5  }
0xaa: {  	[dreg:$0x4] =	wrdreg $0xC0  }
0xab: {  	_ =	task [dreg:s7], $0x5FFFF  }
0xac: {  	[dreg:$0x1] =	wrdreg $0xFFFFFFFF  }
0xad: {  	[dreg:$0x0] =	wrdreg $0x60  }
0xae: {  	[dreg:$0x2] =	wrdreg s24  }
0xaf: {  	[dreg:$0x3] =	wrdreg s2  }
0xb0: {  	[dreg:$0x4] =	wrdreg $0x9  }
0xb1: {  	_ =	task.clear_ibuf [dreg:s7], $0x5FFFF;
	_ =	strace $0x90000046  }
0xb2: {  	s29 =	simm.s32 $0x9;
	_ =	strace $0x80000048  }
0xb3: {  	_ =	swait.ge [sflag:s29], $0x1  }
0xb4: {  	[sflag:s29] =	ssyncadd.s32 $0xFFFFFFFF  }
0xb5: {  	_ =	strace $0x90000048  }
0xb6: {  	_ =	sfence  }
0xb7: {  	s30 =	sld [smem:$0x0];
	_ =	sdelay $0x2  }
0xb8: {  	s31 =	sshll.u32 s1, $0xD;
	s1 =	sshrl.u32 s1, $0x2  }
0xb9: {  	s3 =	sand.u32 $0x4000, s31;
	s1 =	sadd.s32 s1, s30  }
0xba: {  	s0 =	sor.u32 s3, s0;
	s1 =	sshll.u32 s1, $0x11  }
0xbb: {  	s0 =	sor.u32 s1, s0  }
0xbc: {  	s0 =	sadd.s32 $0x8F2B, s0  }
0xbd: {  	[sflag:s0] =	ssyncadd.remote.s32 $0x1  }
0xbe: {  	_ =	sfence.sel $0xFFFF  }
0xbf: {  	[dreg:$0x0] =	wrdreg $0xFFFFFFFF;
	(pc) =	sbr.abs _section_cstart, $3  }
0xc0: {  	[dreg:$0x1] =	wrdreg $0xFFFFFFFF  }
0xc1: {  	_ =	task.clear_ibuf [dreg:s7], $0x2FFFF;
	_ =	strace $0x9FFFFFFF  }
0xc2: {  	(tm) =	ssettm $0x7FFFFFFF  }
0xc3: {  	_ =	shalt  }
tec
execute0_lowered:
.L_overlay_start_1:
0x0: {  	(tag) =	ssettag $0x1  }
0x1: {  	v0 =	vlaneseq.u32  }
0x2: {  	v0 =	vmul.u32 $0x88, v0  }
0x3: {  	s0 =	rddreg [dreg:$0x0];
	v1 =	vimm.s32 $0x0;
	vm0 =	vcmask $0x300  }
0x4: {  	s1 =	srdreg.scid;
	s3 =	stileid.u32;
	v1 =	vsel vm0, $0x3, v1;
	v2 =	vadd.s32 $0x880, v0  }
0x5: {  	s2 =	rddreg [dreg:$0x1];
	s15 =	simm.s32 $0x9;
	s16 =	simm.s32 $0x80;
	v3 =	vadd.s32 $0x1100, v0;
	v4 =	vadd.s32 $0x1980, v0;
	v5 =	vor.u32 $0x1, v0  }
0x6: {  	s23 =	simm.s32 $0x5;
	s24 =	simm.s32 $0x6;
	s25 =	simm.s32 $0x7;
	v6 =	vadd.s32 $0x881, v0;
	v7 =	vadd.s32 $0x1101, v0;
	v8 =	vadd.s32 $0x1981, v0  }
0x7: {  	s26 =	simm.s32 $0x8;
	s28 =	simm.s32 $0x0;
	s1 =	sand.u32 $0x1, s1;
	v9 =	vor.u32 $0x2, v0;
	v10 =	vadd.s32 $0x882, v0;
	v11 =	vadd.s32 $0x1102, v0  }
0x8: {  	s4 =	sshll.u32 s3, $0x1;
	s3 =	simm.s32 $0x0;
	s7 =	sadd.s32 $0x4000, s2;
	v12 =	vadd.s32 $0x1982, v0;
	v13 =	vor.u32 $0x3, v0;
	v14 =	vadd.s32 $0x883, v0  }
0x9: {  	s8 =	sadd.s32 $0x8000, s2;
	s9 =	sadd.s32 $0xC000, s2;
	s10 =	sadd.s32 $0x10000, s2;
	v15 =	vadd.s32 $0x1103, v0;
	v16 =	vadd.s32 $0x1983, v0;
	v17 =	vor.u32 $0x4, v0  }
0xa: {  	s11 =	sadd.s32 $0x14000, s2;
	s12 =	sadd.s32 $0x18000, s2;
	s6 =	sor.u32 s1, s4;
	v18 =	vadd.s32 $0x884, v0;
	v19 =	vadd.s32 $0x1104, v0;
	v20 =	vadd.s32 $0x1984, v0  }
0xb: {  	[smem:$0x7FF] =	sst s3;
	s1 =	ssub.s32 $0x2, s1;
	s4 =	smul.u32 $0xC80, s6;
	v21 =	vor.u32 $0x5, v0;
	v22 =	vadd.s32 $0x885, v0;
	v23 =	vadd.s32 $0x1105, v0  }
0xc: {  	s13 =	sadd.s32 $0x1C000, s2;
	_ =	strace $0x80000047;
	s31 =	sshrl.u32 s1, $0x1;
	v24 =	vadd.s32 $0x1985, v0;
	v25 =	vor.u32 $0x6, v0;
	v26 =	vadd.s32 $0x886, v0  }
0xd: {  	v27 =	vadd.s32 $0x1106, v0;
	v28 =	vadd.s32 $0x1986, v0;
	v29 =	vor.u32 $0x7, v0;
	s5 =	sadd.s32 s4, s0;
	s4 =	sadd.s32 $0xF42C00, s0;
	s0 =	ssub.s32 s1, s31  }
0xe: {  	s6 =	smul.u32 $0xC8, s6;
	v30 =	vadd.s32 $0x887, v0;
	v31 =	vadd.s32 $0x1107, v0;
	v32 =	vadd.s32 $0x1987, v0;
	s5 =	sadd.s32 $0x600, s5;
	s14 =	smax.u32 s0, $0x1  }
.LBB2_1:
0xf: {  	[tilespmem:s3], [sflag:$0x9] =	stream.linear.gather [hbm4b:s5+s3], $0x6400, $0x38;
	[tilespmem:$0x16C00] =	vst v63  }
0x10: {  	_ =	swait.ge [sflag:s15], $0x6400  }
0x11: {  	[sflag:s15] =	ssyncset.done $0x0  }
0x12: {  	s0 =	simm.s32 $0x6400;
	[sflag:s15] =	ssyncadd.s32 $0xFFFF9C00  }
0x13: {  	[tilespmem:s0], [sflag:$0x1] =	stream.indirect.gather [hbm4b:s4+s16], $0x40, s3, s16, $0xb8;
	[tilespmem:$0x16C00] =	vst v63  }
0x14: {  	s20 =	simm.s32 $0x8400  }
0x15: {  	[tilespmem:s20], [sflag:$0x2] =	stream.indirect.gather [hbm4b:s4+s16], $0x40, s16, s16, $0xb8;
	[tilespmem:$0x16C00] =	vst v63  }
0x16: {  	s21 =	simm.s32 $0x100;
	s1 =	simm.s32 $0xA400;
	s22 =	simm.s32 $0x180  }
0x17: {  	[tilespmem:s1], [sflag:$0x3] =	stream.indirect.gather [hbm4b:s4+s16], $0x40, s21, s16, $0xb8;
	[tilespmem:$0x16C00] =	vst v63  }
0x18: {  	s31 =	simm.s32 $0xC400;
	s29 =	simm.s32 $0x0;
	s30 =	simm.s32 $0x0  }
0x19: {  	[tilespmem:s31], [sflag:$0x4] =	stream.indirect.gather [hbm4b:s4+s16], $0x40, s22, s16, $0xb8;
	[tilespmem:$0x16C00] =	vst v63  }
.LBB2_2:
0x1a: {  	s1 =	sand.u32 $0x3, s30  }
0x1b: {  	s0 =	sadd.s32 $0x1, s1  }
0x1c: {  	s17 =	simm.s32 $0x0;
	_ =	swait.ge [sflag:s0], $0x2000  }
0x1d: {  	p0 =	slt.u32 s30, $0x4;
	v33 =	vmov s17;
	[sflag:s0] =	ssyncset.done $0x0  }
0x1e: {  	s17 =	sadd.s32 @!p0 $0x5, s1;
	v33 =	vshrl.u32 v33, $0x3;
	[sflag:s0] =	ssyncadd.s32 $0xFFFFE000  }
0x1f: {  	s18 =	sand.u32 $0x3, s29;
	v33 =	vshll.u32 v33, v1;
	_ =	swait.ge @!p0 [sflag:s17], $0x2000  }
0x20: {  	s18 =	sshll.u32 s18, $0xD;
	v33 =	vbroadcast v33, $0x0;
	[sflag:s17] =	ssyncset.done @!p0 $0x0  }
0x21: {  	s19 =	sadd.s32 $0x6500, s18;
	[sflag:s17] =	ssyncadd.s32 @!p0 $0xFFFFE000  }
0x22: {  	v35 =	vadd.s32 v0, v33;
	v34 =	vld [tilespmem:s19+$0xFFFFFF00]  }
0x23: {  	s20 =	smul.u32 $0x8800, s1;
	_ =	sdelay $0x1  }
0x24: {  	s31 =	sshrl.u32 s20, $0x2  }
0x25: {  	s17 =	sadd.s32 $0xE400, s31  }
0x26: {  	[tilespmem:v35+s17+$0x0] =	vst.idx.msk $0xffff, v34  }
0x27: {  	v56 =	vadd.s32 v2, v33;
	v34 =	vld [tilespmem:s19+$0xFFFFFF10];
	_ =	sdelay $0x4  }
0x28: {  	[tilespmem:v56+s17+$0x0] =	vst.idx.msk $0xffff, v34  }
0x29: {  	v57 =	vadd.s32 v3, v33;
	v34 =	vld [tilespmem:s19+$0xFFFFFF20];
	_ =	sdelay $0x4  }
0x2a: {  	[tilespmem:v57+s17+$0x0] =	vst.idx.msk $0xffff, v34  }
0x2b: {  	s21 =	simm.s32 $0x1;
	v33 =	vadd.s32 v4, v33;
	v34 =	vld [tilespmem:s19+$0xFFFFFF30]  }
0x2c: {  	v58 =	vmov s21  }
0x2d: {  	v35 =	vshrl.u32 v58, $0x3  }
0x2e: {  	v35 =	vshll.u32 v35, v1  }
0x2f: {  	v35 =	vbroadcast v35, $0x0  }
0x30: {  	[tilespmem:v33+s17+$0x0] =	vst.idx.msk $0xffff, v34  }
0x31: {  	v59 =	vadd.s32 v5, v35;
	v33 =	vld [tilespmem:s19+$0xFFFFFF40];
	_ =	sdelay $0x4  }
0x32: {  	[tilespmem:v59+s17+$0x0] =	vst.idx.msk $0xffff, v33  }
0x33: {  	v60 =	vadd.s32 v6, v35;
	v33 =	vld [tilespmem:s19+$0xFFFFFF50];
	_ =	sdelay $0x4  }
0x34: {  	[tilespmem:v60+s17+$0x0] =	vst.idx.msk $0xffff, v33  }
0x35: {  	v61 =	vadd.s32 v7, v35;
	v33 =	vld [tilespmem:s19+$0xFFFFFF60];
	_ =	sdelay $0x4  }
0x36: {  	[tilespmem:v61+s17+$0x0] =	vst.idx.msk $0xffff, v33  }
0x37: {  	s22 =	simm.s32 $0x2;
	v62 =	vadd.s32 v8, v35;
	v33 =	vld [tilespmem:s19+$0xFFFFFF70]  }
0x38: {  	v63 =	vmov s22  }
0x39: {  	v35 =	vshrl.u32 v63, $0x3  }
0x3a: {  	v35 =	vshll.u32 v35, v1  }
0x3b: {  	v35 =	vbroadcast v35, $0x0  }
0x3c: {  	[tilespmem:v62+s17+$0x0] =	vst.idx.msk $0xffff, v33  }
0x3d: {  	v36 =	vadd.s32 v9, v35;
	v33 =	vld [tilespmem:s19+$0xFFFFFF80];
	_ =	sdelay $0x4  }
0x3e: {  	[tilespmem:v36+s17+$0x0] =	vst.idx.msk $0xffff, v33  }
0x3f: {  	v37 =	vadd.s32 v10, v35;
	v33 =	vld [tilespmem:s19+$0xFFFFFF90];
	_ =	sdelay $0x4  }
0x40: {  	[tilespmem:v37+s17+$0x0] =	vst.idx.msk $0xffff, v33  }
0x41: {  	v38 =	vadd.s32 v11, v35;
	v33 =	vld [tilespmem:s19+$0xFFFFFFA0];
	_ =	sdelay $0x4  }
0x42: {  	[tilespmem:v38+s17+$0x0] =	vst.idx.msk $0xffff, v33  }
0x43: {  	s20 =	simm.s32 $0x3;
	v39 =	vadd.s32 v12, v35;
	v33 =	vld [tilespmem:s19+$0xFFFFFFB0]  }
0x44: {  	v40 =	vmov s20  }
0x45: {  	v35 =	vshrl.u32 v40, $0x3  }
0x46: {  	v35 =	vshll.u32 v35, v1  }
0x47: {  	v35 =	vbroadcast v35, $0x0  }
0x48: {  	[tilespmem:v39+s17+$0x0] =	vst.idx.msk $0xffff, v33  }
0x49: {  	v41 =	vadd.s32 v13, v35;
	v33 =	vld [tilespmem:s19+$0xFFFFFFC0];
	_ =	sdelay $0x4  }
0x4a: {  	[tilespmem:v41+s17+$0x0] =	vst.idx.msk $0xffff, v33  }
0x4b: {  	v42 =	vadd.s32 v14, v35;
	v33 =	vld [tilespmem:s19+$0xFFFFFFD0];
	_ =	sdelay $0x4  }
0x4c: {  	[tilespmem:v42+s17+$0x0] =	vst.idx.msk $0xffff, v33  }
0x4d: {  	v43 =	vadd.s32 v15, v35;
	v33 =	vld [tilespmem:s19+$0xFFFFFFE0];
	_ =	sdelay $0x4  }
0x4e: {  	[tilespmem:v43+s17+$0x0] =	vst.idx.msk $0xffff, v33  }
0x4f: {  	s21 =	simm.s32 $0x4;
	v44 =	vadd.s32 v16, v35;
	v33 =	vld [tilespmem:s19+$0xFFFFFFF0]  }
0x50: {  	v45 =	vmov s21  }
0x51: {  	v35 =	vshrl.u32 v45, $0x3  }
0x52: {  	v35 =	vshll.u32 v35, v1  }
0x53: {  	v35 =	vbroadcast v35, $0x0  }
0x54: {  	[tilespmem:v44+s17+$0x0] =	vst.idx.msk $0xffff, v33  }
0x55: {  	v46 =	vadd.s32 v17, v35;
	v33 =	vld [tilespmem:s19+$0x0];
	_ =	sdelay $0x4  }
0x56: {  	[tilespmem:v46+s17+$0x0] =	vst.idx.msk $0xffff, v33  }
0x57: {  	v47 =	vadd.s32 v18, v35;
	v33 =	vld [tilespmem:s19+$0x10];
	_ =	sdelay $0x4  }
0x58: {  	[tilespmem:v47+s17+$0x0] =	vst.idx.msk $0xffff, v33  }
0x59: {  	v48 =	vadd.s32 v19, v35;
	v33 =	vld [tilespmem:s19+$0x20];
	_ =	sdelay $0x4  }
0x5a: {  	[tilespmem:v48+s17+$0x0] =	vst.idx.msk $0xffff, v33  }
0x5b: {  	s22 =	simm.s32 $0x5;
	v49 =	vadd.s32 v20, v35;
	v33 =	vld [tilespmem:s19+$0x30]  }
0x5c: {  	v50 =	vmov s22  }
0x5d: {  	v35 =	vshrl.u32 v50, $0x3  }
0x5e: {  	v35 =	vshll.u32 v35, v1  }
0x5f: {  	v35 =	vbroadcast v35, $0x0  }
0x60: {  	[tilespmem:v49+s17+$0x0] =	vst.idx.msk $0xffff, v33  }
0x61: {  	v51 =	vadd.s32 v21, v35;
	v33 =	vld [tilespmem:s19+$0x40];
	_ =	sdelay $0x4  }
0x62: {  	[tilespmem:v51+s17+$0x0] =	vst.idx.msk $0xffff, v33  }
0x63: {  	v52 =	vadd.s32 v22, v35;
	v33 =	vld [tilespmem:s19+$0x50];
	_ =	sdelay $0x4  }
0x64: {  	[tilespmem:v52+s17+$0x0] =	vst.idx.msk $0xffff, v33  }
0x65: {  	v53 =	vadd.s32 v23, v35;
	v33 =	vld [tilespmem:s19+$0x60];
	_ =	sdelay $0x4  }
0x66: {  	[tilespmem:v53+s17+$0x0] =	vst.idx.msk $0xffff, v33  }
0x67: {  	s20 =	simm.s32 $0x6;
	v54 =	vadd.s32 v24, v35;
	v33 =	vld [tilespmem:s19+$0x70]  }
0x68: {  	v55 =	vmov s20  }
0x69: {  	v35 =	vshrl.u32 v55, $0x3  }
0x6a: {  	v35 =	vshll.u32 v35, v1  }
0x6b: {  	v35 =	vbroadcast v35, $0x0  }
0x6c: {  	[tilespmem:v54+s17+$0x0] =	vst.idx.msk $0xffff, v33  }
0x6d: {  	v56 =	vadd.s32 v25, v35;
	v33 =	vld [tilespmem:s19+$0x80];
	_ =	sdelay $0x4  }
0x6e: {  	[tilespmem:v56+s17+$0x0] =	vst.idx.msk $0xffff, v33  }
0x6f: {  	v57 =	vadd.s32 v26, v35;
	v33 =	vld [tilespmem:s19+$0x90];
	_ =	sdelay $0x4  }
0x70: {  	[tilespmem:v57+s17+$0x0] =	vst.idx.msk $0xffff, v33  }
0x71: {  	v58 =	vadd.s32 v27, v35;
	v33 =	vld [tilespmem:s19+$0xA0];
	_ =	sdelay $0x4  }
0x72: {  	[tilespmem:v58+s17+$0x0] =	vst.idx.msk $0xffff, v33  }
0x73: {  	s21 =	simm.s32 $0x7;
	v59 =	vadd.s32 v28, v35;
	v33 =	vld [tilespmem:s19+$0xB0]  }
0x74: {  	v60 =	vmov s21  }
0x75: {  	v35 =	vshrl.u32 v60, $0x3  }
0x76: {  	v35 =	vshll.u32 v35, v1  }
0x77: {  	v35 =	vbroadcast v35, $0x0  }
0x78: {  	[tilespmem:v59+s17+$0x0] =	vst.idx.msk $0xffff, v33  }
0x79: {  	v61 =	vadd.s32 v29, v35;
	v33 =	vld [tilespmem:s19+$0xC0];
	_ =	sdelay $0x4  }
0x7a: {  	[tilespmem:v61+s17+$0x0] =	vst.idx.msk $0xffff, v33  }
0x7b: {  	v62 =	vadd.s32 v30, v35;
	v33 =	vld [tilespmem:s19+$0xD0];
	_ =	sdelay $0x4  }
0x7c: {  	[tilespmem:v62+s17+$0x0] =	vst.idx.msk $0xffff, v33  }
0x7d: {  	v63 =	vadd.s32 v31, v35;
	v33 =	vld [tilespmem:s19+$0xE0];
	_ =	sdelay $0x4  }
0x7e: {  	[tilespmem:v63+s17+$0x0] =	vst.idx.msk $0xffff, v33  }
0x7f: {  	s22 =	sshll.u32 s1, $0xD;
	s20 =	simm.s32 $0x8;
	v34 =	vadd.s32 v32, v35;
	v33 =	vld [tilespmem:s19+$0xF0]  }
0x80: {  	s18 =	sadd.s32 $0x6400, s22;
	s21 =	simm.s32 $0x10;
	v35 =	vmov s20  }
.LBB2_3:
0x81: {  	p0 =	slt.u32 s21, $0x78;
	v35 =	vshrl.u32 v35, $0x3  }
0x82: {  	v35 =	vshll.u32 v35, v1  }
0x83: {  	v35 =	vbroadcast v35, $0x0  }
0x84: {  	s19 =	sadd.s32 $0x200, s19;
	[tilespmem:v34+s17+$0x0] =	vst.idx.msk $0xffff, v33  }
0x85: {  	v33 =	vld [tilespmem:s19+$0xFFFFFF00];
	v34 =	vadd.s32 v0, v35;
	_ =	sdelay $0x4  }
0x86: {  	[tilespmem:v34+s17+$0x0] =	vst.idx.msk $0xffff, v33  }
0x87: {  	v34 =	vadd.s32 v2, v35;
	v33 =	vld [tilespmem:s19+$0xFFFFFF10];
	_ =	sdelay $0x4  }
0x88: {  	[tilespmem:v34+s17+$0x0] =	vst.idx.msk $0xffff, v33  }
0x89: {  	v34 =	vadd.s32 v3, v35;
	v33 =	vld [tilespmem:s19+$0xFFFFFF20];
	_ =	sdelay $0x4  }
0x8a: {  	[tilespmem:v34+s17+$0x0] =	vst.idx.msk $0xffff, v33  }
0x8b: {  	s22 =	sadd.s32 $0x1, s20;
	v34 =	vadd.s32 v4, v35;
	v33 =	vld [tilespmem:s19+$0xFFFFFF30]  }
0x8c: {  	v35 =	vmov s22  }
0x8d: {  	v35 =	vshrl.u32 v35, $0x3  }
0x8e: {  	v35 =	vshll.u32 v35, v1  }
0x8f: {  	v35 =	vbroadcast v35, $0x0  }
0x90: {  	[tilespmem:v34+s17+$0x0] =	vst.idx.msk $0xffff, v33  }
0x91: {  	v34 =	vadd.s32 v5, v35;
	v33 =	vld [tilespmem:s19+$0xFFFFFF40];
	_ =	sdelay $0x4  }
0x92: {  	[tilespmem:v34+s17+$0x0] =	vst.idx.msk $0xffff, v33  }
0x93: {  	v34 =	vadd.s32 v6, v35;
	v33 =	vld [tilespmem:s19+$0xFFFFFF50];
	_ =	sdelay $0x4  }
0x94: {  	[tilespmem:v34+s17+$0x0] =	vst.idx.msk $0xffff, v33  }
0x95: {  	v34 =	vadd.s32 v7, v35;
	v33 =	vld [tilespmem:s19+$0xFFFFFF60];
	_ =	sdelay $0x4  }
0x96: {  	[tilespmem:v34+s17+$0x0] =	vst.idx.msk $0xffff, v33  }
0x97: {  	s22 =	sadd.s32 $0x2, s20;
	v34 =	vadd.s32 v8, v35;
	v33 =	vld [tilespmem:s19+$0xFFFFFF70]  }
0x98: {  	v35 =	vmov s22  }
0x99: {  	v35 =	vshrl.u32 v35, $0x3  }
0x9a: {  	v35 =	vshll.u32 v35, v1  }
0x9b: {  	v35 =	vbroadcast v35, $0x0  }
0x9c: {  	[tilespmem:v34+s17+$0x0] =	vst.idx.msk $0xffff, v33  }
0x9d: {  	v34 =	vadd.s32 v9, v35;
	v33 =	vld [tilespmem:s19+$0xFFFFFF80];
	_ =	sdelay $0x4  }
0x9e: {  	[tilespmem:v34+s17+$0x0] =	vst.idx.msk $0xffff, v33  }
0x9f: {  	v34 =	vadd.s32 v10, v35;
	v33 =	vld [tilespmem:s19+$0xFFFFFF90];
	_ =	sdelay $0x4  }
0xa0: {  	[tilespmem:v34+s17+$0x0] =	vst.idx.msk $0xffff, v33  }
0xa1: {  	v34 =	vadd.s32 v11, v35;
	v33 =	vld [tilespmem:s19+$0xFFFFFFA0];
	_ =	sdelay $0x4  }
0xa2: {  	[tilespmem:v34+s17+$0x0] =	vst.idx.msk $0xffff, v33  }
0xa3: {  	s22 =	sadd.s32 $0x3, s20;
	v34 =	vadd.s32 v12, v35;
	v33 =	vld [tilespmem:s19+$0xFFFFFFB0]  }
0xa4: {  	v35 =	vmov s22  }
0xa5: {  	v35 =	vshrl.u32 v35, $0x3  }
0xa6: {  	v35 =	vshll.u32 v35, v1  }
0xa7: {  	v35 =	vbroadcast v35, $0x0  }
0xa8: {  	[tilespmem:v34+s17+$0x0] =	vst.idx.msk $0xffff, v33  }
0xa9: {  	v34 =	vadd.s32 v13, v35;
	v33 =	vld [tilespmem:s19+$0xFFFFFFC0];
	_ =	sdelay $0x4  }
0xaa: {  	[tilespmem:v34+s17+$0x0] =	vst.idx.msk $0xffff, v33  }
0xab: {  	v34 =	vadd.s32 v14, v35;
	v33 =	vld [tilespmem:s19+$0xFFFFFFD0];
	_ =	sdelay $0x4  }
0xac: {  	[tilespmem:v34+s17+$0x0] =	vst.idx.msk $0xffff, v33  }
0xad: {  	v34 =	vadd.s32 v15, v35;
	v33 =	vld [tilespmem:s19+$0xFFFFFFE0];
	_ =	sdelay $0x4  }
0xae: {  	[tilespmem:v34+s17+$0x0] =	vst.idx.msk $0xffff, v33  }
0xaf: {  	s22 =	sadd.s32 $0x4, s20;
	v34 =	vadd.s32 v16, v35;
	v33 =	vld [tilespmem:s19+$0xFFFFFFF0]  }
0xb0: {  	v35 =	vmov s22  }
0xb1: {  	v35 =	vshrl.u32 v35, $0x3  }
0xb2: {  	v35 =	vshll.u32 v35, v1  }
0xb3: {  	v35 =	vbroadcast v35, $0x0  }
0xb4: {  	[tilespmem:v34+s17+$0x0] =	vst.idx.msk $0xffff, v33  }
0xb5: {  	v34 =	vadd.s32 v17, v35;
	v33 =	vld [tilespmem:s19+$0x0];
	_ =	sdelay $0x4  }
0xb6: {  	[tilespmem:v34+s17+$0x0] =	vst.idx.msk $0xffff, v33  }
0xb7: {  	v34 =	vadd.s32 v18, v35;
	v33 =	vld [tilespmem:s19+$0x10];
	_ =	sdelay $0x4  }
0xb8: {  	[tilespmem:v34+s17+$0x0] =	vst.idx.msk $0xffff, v33  }
0xb9: {  	v34 =	vadd.s32 v19, v35;
	v33 =	vld [tilespmem:s19+$0x20];
	_ =	sdelay $0x4  }
0xba: {  	[tilespmem:v34+s17+$0x0] =	vst.idx.msk $0xffff, v33  }
0xbb: {  	s22 =	sadd.s32 $0x5, s20;
	v34 =	vadd.s32 v20, v35;
	v33 =	vld [tilespmem:s19+$0x30]  }
0xbc: {  	v35 =	vmov s22  }
0xbd: {  	v35 =	vshrl.u32 v35, $0x3  }
0xbe: {  	v35 =	vshll.u32 v35, v1  }
0xbf: {  	v35 =	vbroadcast v35, $0x0  }
0xc0: {  	[tilespmem:v34+s17+$0x0] =	vst.idx.msk $0xffff, v33  }
0xc1: {  	v34 =	vadd.s32 v21, v35;
	v33 =	vld [tilespmem:s19+$0x40];
	_ =	sdelay $0x4  }
0xc2: {  	[tilespmem:v34+s17+$0x0] =	vst.idx.msk $0xffff, v33  }
0xc3: {  	v34 =	vadd.s32 v22, v35;
	v33 =	vld [tilespmem:s19+$0x50];
	_ =	sdelay $0x4  }
0xc4: {  	[tilespmem:v34+s17+$0x0] =	vst.idx.msk $0xffff, v33  }
0xc5: {  	v34 =	vadd.s32 v23, v35;
	v33 =	vld [tilespmem:s19+$0x60];
	_ =	sdelay $0x4  }
0xc6: {  	[tilespmem:v34+s17+$0x0] =	vst.idx.msk $0xffff, v33  }
0xc7: {  	s22 =	sadd.s32 $0x6, s20;
	v34 =	vadd.s32 v24, v35;
	v33 =	vld [tilespmem:s19+$0x70]  }
0xc8: {  	v35 =	vmov s22  }
0xc9: {  	v35 =	vshrl.u32 v35, $0x3  }
0xca: {  	v35 =	vshll.u32 v35, v1  }
0xcb: {  	v35 =	vbroadcast v35, $0x0  }
0xcc: {  	[tilespmem:v34+s17+$0x0] =	vst.idx.msk $0xffff, v33  }
0xcd: {  	v34 =	vadd.s32 v25, v35;
	v33 =	vld [tilespmem:s19+$0x80];
	_ =	sdelay $0x4  }
0xce: {  	[tilespmem:v34+s17+$0x0] =	vst.idx.msk $0xffff, v33  }
0xcf: {  	v34 =	vadd.s32 v26, v35;
	v33 =	vld [tilespmem:s19+$0x90];
	_ =	sdelay $0x4  }
0xd0: {  	[tilespmem:v34+s17+$0x0] =	vst.idx.msk $0xffff, v33  }
0xd1: {  	v34 =	vadd.s32 v27, v35;
	v33 =	vld [tilespmem:s19+$0xA0];
	_ =	sdelay $0x4  }
0xd2: {  	[tilespmem:v34+s17+$0x0] =	vst.idx.msk $0xffff, v33  }
0xd3: {  	s22 =	sadd.s32 $0x7, s20;
	s20 =	smov.u32 s21;
	v34 =	vadd.s32 v28, v35;
	v33 =	vld [tilespmem:s19+$0xB0]  }
0xd4: {  	v35 =	vmov s22  }
0xd5: {  	v35 =	vshrl.u32 v35, $0x3  }
0xd6: {  	v35 =	vshll.u32 v35, v1  }
0xd7: {  	v35 =	vbroadcast v35, $0x0  }
0xd8: {  	[tilespmem:v34+s17+$0x0] =	vst.idx.msk $0xffff, v33  }
0xd9: {  	v34 =	vadd.s32 v29, v35;
	v33 =	vld [tilespmem:s19+$0xC0];
	_ =	sdelay $0x4  }
0xda: {  	[tilespmem:v34+s17+$0x0] =	vst.idx.msk $0xffff, v33  }
0xdb: {  	v34 =	vadd.s32 v30, v35;
	v33 =	vld [tilespmem:s19+$0xD0];
	_ =	sdelay $0x4  }
0xdc: {  	[tilespmem:v34+s17+$0x0] =	vst.idx.msk $0xffff, v33  }
0xdd: {  	v34 =	vadd.s32 v31, v35;
	v33 =	vld [tilespmem:s19+$0xE0];
	_ =	sdelay $0x2  }
.Ltmp0:
0xde: {  	(pc) =	sbr.rel @p0 .LBB2_3-.Ltmp0, $4  }
0xdf: {  	_ = 	snop  }
0xe0: {  	[tilespmem:v34+s17+$0x0] =	vst.idx.msk $0xffff, v33  }
0xe1: {  	v34 =	vadd.s32 v32, v35;
	v33 =	vld [tilespmem:s19+$0xF0]  }
0xe2: {  	s21 =	sadd.s32 $0x8, s21;
	v35 =	vmov s20  }
0xe3: {  	_ = 	snop  }
0xe4: {  	v35 =	vshrl.u32 v35, $0x3  }
0xe5: {  	v35 =	vshll.u32 v35, v1  }
0xe6: {  	v35 =	vbroadcast v35, $0x0  }
0xe7: {  	s19 =	sadd.s32 $0x200, s19;
	[tilespmem:v34+s17+$0x0] =	vst.idx.msk $0xffff, v33  }
0xe8: {  	v33 =	vld [tilespmem:s19+$0xFFFFFF00];
	v53 =	vadd.s32 v0, v35;
	_ =	sdelay $0x4  }
0xe9: {  	[tilespmem:v53+s17+$0x0] =	vst.idx.msk $0xffff, v33  }
0xea: {  	v54 =	vadd.s32 v2, v35;
	v33 =	vld [tilespmem:s19+$0xFFFFFF10];
	_ =	sdelay $0x4  }
0xeb: {  	[tilespmem:v54+s17+$0x0] =	vst.idx.msk $0xffff, v33  }
0xec: {  	v55 =	vadd.s32 v3, v35;
	v33 =	vld [tilespmem:s19+$0xFFFFFF20];
	_ =	sdelay $0x4  }
0xed: {  	[tilespmem:v55+s17+$0x0] =	vst.idx.msk $0xffff, v33  }
0xee: {  	s21 =	sadd.s32 $0x1, s20;
	v56 =	vadd.s32 v4, v35;
	v33 =	vld [tilespmem:s19+$0xFFFFFF30]  }
0xef: {  	v57 =	vmov s21  }
0xf0: {  	v35 =	vshrl.u32 v57, $0x3  }
0xf1: {  	v35 =	vshll.u32 v35, v1  }
0xf2: {  	v35 =	vbroadcast v35, $0x0  }
0xf3: {  	[tilespmem:v56+s17+$0x0] =	vst.idx.msk $0xffff, v33  }
0xf4: {  	v58 =	vadd.s32 v5, v35;
	v33 =	vld [tilespmem:s19+$0xFFFFFF40];
	_ =	sdelay $0x4  }
0xf5: {  	[tilespmem:v58+s17+$0x0] =	vst.idx.msk $0xffff, v33  }
0xf6: {  	v59 =	vadd.s32 v6, v35;
	v33 =	vld [tilespmem:s19+$0xFFFFFF50];
	_ =	sdelay $0x4  }
0xf7: {  	[tilespmem:v59+s17+$0x0] =	vst.idx.msk $0xffff, v33  }
0xf8: {  	v60 =	vadd.s32 v7, v35;
	v33 =	vld [tilespmem:s19+$0xFFFFFF60];
	_ =	sdelay $0x4  }
0xf9: {  	[tilespmem:v60+s17+$0x0] =	vst.idx.msk $0xffff, v33  }
0xfa: {  	s22 =	sadd.s32 $0x2, s20;
	v61 =	vadd.s32 v8, v35;
	v33 =	vld [tilespmem:s19+$0xFFFFFF70]  }
0xfb: {  	v62 =	vmov s22  }
0xfc: {  	v35 =	vshrl.u32 v62, $0x3  }
0xfd: {  	v35 =	vshll.u32 v35, v1  }
0xfe: {  	v35 =	vbroadcast v35, $0x0  }
0xff: {  	[tilespmem:v61+s17+$0x0] =	vst.idx.msk $0xffff, v33  }
0x100: {  	v63 =	vadd.s32 v9, v35;
	v33 =	vld [tilespmem:s19+$0xFFFFFF80];
	_ =	sdelay $0x4  }
0x101: {  	[tilespmem:v63+s17+$0x0] =	vst.idx.msk $0xffff, v33  }
0x102: {  	v36 =	vadd.s32 v10, v35;
	v33 =	vld [tilespmem:s19+$0xFFFFFF90];
	_ =	sdelay $0x4  }
0x103: {  	[tilespmem:v36+s17+$0x0] =	vst.idx.msk $0xffff, v33  }
0x104: {  	v37 =	vadd.s32 v11, v35;
	v33 =	vld [tilespmem:s19+$0xFFFFFFA0];
	_ =	sdelay $0x4  }
0x105: {  	[tilespmem:v37+s17+$0x0] =	vst.idx.msk $0xffff, v33  }
0x106: {  	s22 =	sadd.s32 $0x3, s20;
	v38 =	vadd.s32 v12, v35;
	v33 =	vld [tilespmem:s19+$0xFFFFFFB0]  }
0x107: {  	v39 =	vmov s22  }
0x108: {  	v35 =	vshrl.u32 v39, $0x3  }
0x109: {  	v35 =	vshll.u32 v35, v1  }
0x10a: {  	v35 =	vbroadcast v35, $0x0  }
0x10b: {  	[tilespmem:v38+s17+$0x0] =	vst.idx.msk $0xffff, v33  }
0x10c: {  	v40 =	vadd.s32 v13, v35;
	v33 =	vld [tilespmem:s19+$0xFFFFFFC0];
	_ =	sdelay $0x4  }
0x10d: {  	[tilespmem:v40+s17+$0x0] =	vst.idx.msk $0xffff, v33  }
0x10e: {  	v41 =	vadd.s32 v14, v35;
	v33 =	vld [tilespmem:s19+$0xFFFFFFD0];
	_ =	sdelay $0x4  }
0x10f: {  	[tilespmem:v41+s17+$0x0] =	vst.idx.msk $0xffff, v33  }
0x110: {  	v42 =	vadd.s32 v15, v35;
	v33 =	vld [tilespmem:s19+$0xFFFFFFE0];
	_ =	sdelay $0x4  }
0x111: {  	[tilespmem:v42+s17+$0x0] =	vst.idx.msk $0xffff, v33  }
0x112: {  	s22 =	sadd.s32 $0x4, s20;
	v43 =	vadd.s32 v16, v35;
	v33 =	vld [tilespmem:s19+$0xFFFFFFF0]  }
0x113: {  	v44 =	vmov s22  }
0x114: {  	v35 =	vshrl.u32 v44, $0x3  }
0x115: {  	v35 =	vshll.u32 v35, v1  }
0x116: {  	v35 =	vbroadcast v35, $0x0  }
0x117: {  	[tilespmem:v43+s17+$0x0] =	vst.idx.msk $0xffff, v33  }
0x118: {  	v45 =	vadd.s32 v17, v35;
	v33 =	vld [tilespmem:s19+$0x0];
	_ =	sdelay $0x4  }
0x119: {  	[tilespmem:v45+s17+$0x0] =	vst.idx.msk $0xffff, v33  }
0x11a: {  	v46 =	vadd.s32 v18, v35;
	v33 =	vld [tilespmem:s19+$0x10];
	_ =	sdelay $0x4  }
0x11b: {  	[tilespmem:v46+s17+$0x0] =	vst.idx.msk $0xffff, v33  }
0x11c: {  	v47 =	vadd.s32 v19, v35;
	v33 =	vld [tilespmem:s19+$0x20];
	_ =	sdelay $0x4  }
0x11d: {  	[tilespmem:v47+s17+$0x0] =	vst.idx.msk $0xffff, v33  }
0x11e: {  	s22 =	sadd.s32 $0x5, s20;
	v48 =	vadd.s32 v20, v35;
	v33 =	vld [tilespmem:s19+$0x30]  }
0x11f: {  	v49 =	vmov s22  }
0x120: {  	v35 =	vshrl.u32 v49, $0x3  }
0x121: {  	v35 =	vshll.u32 v35, v1  }
0x122: {  	v35 =	vbroadcast v35, $0x0  }
0x123: {  	[tilespmem:v48+s17+$0x0] =	vst.idx.msk $0xffff, v33  }
0x124: {  	v50 =	vadd.s32 v21, v35;
	v33 =	vld [tilespmem:s19+$0x40];
	_ =	sdelay $0x4  }
0x125: {  	[tilespmem:v50+s17+$0x0] =	vst.idx.msk $0xffff, v33  }
0x126: {  	v51 =	vadd.s32 v22, v35;
	v33 =	vld [tilespmem:s19+$0x50];
	_ =	sdelay $0x4  }
0x127: {  	[tilespmem:v51+s17+$0x0] =	vst.idx.msk $0xffff, v33  }
0x128: {  	v52 =	vadd.s32 v23, v35;
	v33 =	vld [tilespmem:s19+$0x60];
	_ =	sdelay $0x4  }
0x129: {  	[tilespmem:v52+s17+$0x0] =	vst.idx.msk $0xffff, v33  }
0x12a: {  	s22 =	sadd.s32 $0x6, s20;
	v53 =	vadd.s32 v24, v35;
	v33 =	vld [tilespmem:s19+$0x70]  }
0x12b: {  	v54 =	vmov s22  }
0x12c: {  	v35 =	vshrl.u32 v54, $0x3  }
0x12d: {  	v35 =	vshll.u32 v35, v1  }
0x12e: {  	v35 =	vbroadcast v35, $0x0  }
0x12f: {  	[tilespmem:v53+s17+$0x0] =	vst.idx.msk $0xffff, v33  }
0x130: {  	v55 =	vadd.s32 v25, v35;
	v33 =	vld [tilespmem:s19+$0x80];
	_ =	sdelay $0x4  }
0x131: {  	[tilespmem:v55+s17+$0x0] =	vst.idx.msk $0xffff, v33  }
0x132: {  	v56 =	vadd.s32 v26, v35;
	v33 =	vld [tilespmem:s19+$0x90];
	_ =	sdelay $0x4  }
0x133: {  	[tilespmem:v56+s17+$0x0] =	vst.idx.msk $0xffff, v33  }
0x134: {  	v57 =	vadd.s32 v27, v35;
	v33 =	vld [tilespmem:s19+$0xA0];
	_ =	sdelay $0x4  }
0x135: {  	[tilespmem:v57+s17+$0x0] =	vst.idx.msk $0xffff, v33  }
0x136: {  	s22 =	sadd.s32 $0x7, s20;
	v58 =	vadd.s32 v28, v35;
	v33 =	vld [tilespmem:s19+$0xB0]  }
0x137: {  	v59 =	vmov s22  }
0x138: {  	v35 =	vshrl.u32 v59, $0x3  }
0x139: {  	v35 =	vshll.u32 v35, v1  }
0x13a: {  	v35 =	vbroadcast v35, $0x0  }
0x13b: {  	[tilespmem:v58+s17+$0x0] =	vst.idx.msk $0xffff, v33  }
0x13c: {  	v60 =	vadd.s32 v29, v35;
	v33 =	vld [tilespmem:s19+$0xC0];
	_ =	sdelay $0x4  }
0x13d: {  	[tilespmem:v60+s17+$0x0] =	vst.idx.msk $0xffff, v33  }
0x13e: {  	v61 =	vadd.s32 v30, v35;
	v33 =	vld [tilespmem:s19+$0xD0];
	_ =	sdelay $0x4  }
0x13f: {  	[tilespmem:v61+s17+$0x0] =	vst.idx.msk $0xffff, v33  }
0x140: {  	v62 =	vadd.s32 v31, v35;
	v33 =	vld [tilespmem:s19+$0xE0];
	_ =	sdelay $0x4  }
0x141: {  	[tilespmem:v62+s17+$0x0] =	vst.idx.msk $0xffff, v33  }
0x142: {  	v63 =	vadd.s32 v32, v35;
	v33 =	vld [tilespmem:s19+$0xF0];
	_ =	sdelay $0x1  }
0x143: {  	p0 =	sgt.u32 s30, $0xC3  }
0x144: {  	s19 =	sshll.u32 @!p0 s30, $0x7  }
0x145: {  	s19 =	sand.u32 @!p0 $0x3FFFFF80, s19  }
0x146: {  	s20 =	simm.s32 @!p0 $0x80;
	s19 =	sadd.s32 @!p0 $0x200, s19;
	[tilespmem:v63+s17+$0x0] =	vst.idx.msk $0xffff, v33  }
0x147: {  	[tilespmem:s18], [sflag:s0] =	stream.indirect.gather @!p0 [hbm4b:s4+s20], $0x40, s19, s20, $0xb8;
	[tilespmem:$0x16C00] =	vst v63  }
0x148: {  	s19 =	sadd.s32 s6, s30  }
0x149: {  	s20 =	sshll.u32 s19, $0x7;
	s0 =	sshll.u32 s19, $0xA  }
0x14a: {  	s18 =	sand.u32 $0x3F80, s20;
	s0 =	sand.u32 $0x7FFE0000, s0  }
0x14b: {  	s18 =	sor.u32 s18, s0  }
0x14c: {  	s0 =	sadd.s32 $0x5, s1;
	s1 =	sadd.s32 s2, s18  }
0x14d: {  	[hbm4b:s1+s3] =	stream.linear.scatter [tilespmem:s17], [sflag:s0], $0x80, $0x38;
	[tilespmem:$0x16C00] =	vst v63  }
0x14e: {  	s21 =	sadd.s32 $0xE488, s31;
	s22 =	sadd.s32 $0x10, s1  }
0x14f: {  	[hbm4b:s22+s3] =	stream.linear.scatter [tilespmem:s21], [sflag:s0], $0x80, $0x38;
	[tilespmem:$0x16C00] =	vst v63  }
0x150: {  	s19 =	sadd.s32 $0xE510, s31;
	s20 =	sadd.s32 $0x20, s1  }
0x151: {  	[hbm4b:s20+s3] =	stream.linear.scatter [tilespmem:s19], [sflag:s0], $0x80, $0x38;
	[tilespmem:$0x16C00] =	vst v63  }
0x152: {  	s21 =	sadd.s32 $0xE598, s31;
	s22 =	sadd.s32 $0x30, s1  }
0x153: {  	[hbm4b:s22+s3] =	stream.linear.scatter [tilespmem:s21], [sflag:s0], $0x80, $0x38;
	[tilespmem:$0x16C00] =	vst v63  }
0x154: {  	s19 =	sadd.s32 $0xE620, s31;
	s20 =	sadd.s32 $0x40, s1  }
0x155: {  	[hbm4b:s20+s3] =	stream.linear.scatter [tilespmem:s19], [sflag:s0], $0x80, $0x38;
	[tilespmem:$0x16C00] =	vst v63  }
0x156: {  	s21 =	sadd.s32 $0xE6A8, s31;
	s22 =	sadd.s32 $0x50, s1  }
0x157: {  	[hbm4b:s22+s3] =	stream.linear.scatter [tilespmem:s21], [sflag:s0], $0x80, $0x38;
	[tilespmem:$0x16C00] =	vst v63  }
0x158: {  	s19 =	sadd.s32 $0xE730, s31;
	s20 =	sadd.s32 $0x60, s1  }
0x159: {  	[hbm4b:s20+s3] =	stream.linear.scatter [tilespmem:s19], [sflag:s0], $0x80, $0x38;
	[tilespmem:$0x16C00] =	vst v63  }
0x15a: {  	s1 =	sadd.s32 $0x70, s1;
	s21 =	sadd.s32 $0xE7B8, s31  }
0x15b: {  	[hbm4b:s1+s3] =	stream.linear.scatter [tilespmem:s21], [sflag:s0], $0x80, $0x38;
	[tilespmem:$0x16C00] =	vst v63  }
0x15c: {  	s22 =	sadd.s32 $0xE840, s31;
	s1 =	sadd.s32 s18, s7  }
0x15d: {  	[hbm4b:s1+s3] =	stream.linear.scatter [tilespmem:s22], [sflag:s0], $0x80, $0x38;
	[tilespmem:$0x16C00] =	vst v63  }
0x15e: {  	s19 =	sadd.s32 $0xE8C8, s31;
	s20 =	sadd.s32 $0x10, s1  }
0x15f: {  	[hbm4b:s20+s3] =	stream.linear.scatter [tilespmem:s19], [sflag:s0], $0x80, $0x38;
	[tilespmem:$0x16C00] =	vst v63  }
0x160: {  	s21 =	sadd.s32 $0xE950, s31;
	s22 =	sadd.s32 $0x20, s1  }
0x161: {  	[hbm4b:s22+s3] =	stream.linear.scatter [tilespmem:s21], [sflag:s0], $0x80, $0x38;
	[tilespmem:$0x16C00] =	vst v63  }
0x162: {  	s19 =	sadd.s32 $0xE9D8, s31;
	s20 =	sadd.s32 $0x30, s1  }
0x163: {  	[hbm4b:s20+s3] =	stream.linear.scatter [tilespmem:s19], [sflag:s0], $0x80, $0x38;
	[tilespmem:$0x16C00] =	vst v63  }
0x164: {  	s21 =	sadd.s32 $0xEA60, s31;
	s22 =	sadd.s32 $0x40, s1  }
0x165: {  	[hbm4b:s22+s3] =	stream.linear.scatter [tilespmem:s21], [sflag:s0], $0x80, $0x38;
	[tilespmem:$0x16C00] =	vst v63  }
0x166: {  	s19 =	sadd.s32 $0xEAE8, s31;
	s20 =	sadd.s32 $0x50, s1  }
0x167: {  	[hbm4b:s20+s3] =	stream.linear.scatter [tilespmem:s19], [sflag:s0], $0x80, $0x38;
	[tilespmem:$0x16C00] =	vst v63  }
0x168: {  	s21 =	sadd.s32 $0xEB70, s31;
	s22 =	sadd.s32 $0x60, s1  }
0x169: {  	[hbm4b:s22+s3] =	stream.linear.scatter [tilespmem:s21], [sflag:s0], $0x80, $0x38;
	[tilespmem:$0x16C00] =	vst v63  }
0x16a: {  	s1 =	sadd.s32 $0x70, s1;
	s19 =	sadd.s32 $0xEBF8, s31  }
0x16b: {  	[hbm4b:s1+s3] =	stream.linear.scatter [tilespmem:s19], [sflag:s0], $0x80, $0x38;
	[tilespmem:$0x16C00] =	vst v63  }
0x16c: {  	s20 =	sadd.s32 $0xEC80, s31;
	s1 =	sadd.s32 s18, s8  }
0x16d: {  	[hbm4b:s1+s3] =	stream.linear.scatter [tilespmem:s20], [sflag:s0], $0x80, $0x38;
	[tilespmem:$0x16C00] =	vst v63  }
0x16e: {  	s21 =	sadd.s32 $0xED08, s31;
	s22 =	sadd.s32 $0x10, s1  }
0x16f: {  	[hbm4b:s22+s3] =	stream.linear.scatter [tilespmem:s21], [sflag:s0], $0x80, $0x38;
	[tilespmem:$0x16C00] =	vst v63  }
0x170: {  	s19 =	sadd.s32 $0xED90, s31;
	s20 =	sadd.s32 $0x20, s1  }
0x171: {  	[hbm4b:s20+s3] =	stream.linear.scatter [tilespmem:s19], [sflag:s0], $0x80, $0x38;
	[tilespmem:$0x16C00] =	vst v63  }
0x172: {  	s21 =	sadd.s32 $0xEE18, s31;
	s22 =	sadd.s32 $0x30, s1  }
0x173: {  	[hbm4b:s22+s3] =	stream.linear.scatter [tilespmem:s21], [sflag:s0], $0x80, $0x38;
	[tilespmem:$0x16C00] =	vst v63  }
0x174: {  	s19 =	sadd.s32 $0xEEA0, s31;
	s20 =	sadd.s32 $0x40, s1  }
0x175: {  	[hbm4b:s20+s3] =	stream.linear.scatter [tilespmem:s19], [sflag:s0], $0x80, $0x38;
	[tilespmem:$0x16C00] =	vst v63  }
0x176: {  	s21 =	sadd.s32 $0xEF28, s31;
	s22 =	sadd.s32 $0x50, s1  }
0x177: {  	[hbm4b:s22+s3] =	stream.linear.scatter [tilespmem:s21], [sflag:s0], $0x80, $0x38;
	[tilespmem:$0x16C00] =	vst v63  }
0x178: {  	s19 =	sadd.s32 $0xEFB0, s31;
	s20 =	sadd.s32 $0x60, s1  }
0x179: {  	[hbm4b:s20+s3] =	stream.linear.scatter [tilespmem:s19], [sflag:s0], $0x80, $0x38;
	[tilespmem:$0x16C00] =	vst v63  }
0x17a: {  	s1 =	sadd.s32 $0x70, s1;
	s21 =	sadd.s32 $0xF038, s31  }
0x17b: {  	[hbm4b:s1+s3] =	stream.linear.scatter [tilespmem:s21], [sflag:s0], $0x80, $0x38;
	[tilespmem:$0x16C00] =	vst v63  }
0x17c: {  	s22 =	sadd.s32 $0xF0C0, s31;
	s1 =	sadd.s32 s18, s9  }
0x17d: {  	[hbm4b:s1+s3] =	stream.linear.scatter [tilespmem:s22], [sflag:s0], $0x80, $0x38;
	[tilespmem:$0x16C00] =	vst v63  }
0x17e: {  	s19 =	sadd.s32 $0xF148, s31;
	s20 =	sadd.s32 $0x10, s1  }
0x17f: {  	[hbm4b:s20+s3] =	stream.linear.scatter [tilespmem:s19], [sflag:s0], $0x80, $0x38;
	[tilespmem:$0x16C00] =	vst v63  }
0x180: {  	s21 =	sadd.s32 $0xF1D0, s31;
	s22 =	sadd.s32 $0x20, s1  }
0x181: {  	[hbm4b:s22+s3] =	stream.linear.scatter [tilespmem:s21], [sflag:s0], $0x80, $0x38;
	[tilespmem:$0x16C00] =	vst v63  }
0x182: {  	s19 =	sadd.s32 $0xF258, s31;
	s20 =	sadd.s32 $0x30, s1  }
0x183: {  	[hbm4b:s20+s3] =	stream.linear.scatter [tilespmem:s19], [sflag:s0], $0x80, $0x38;
	[tilespmem:$0x16C00] =	vst v63  }
0x184: {  	s21 =	sadd.s32 $0xF2E0, s31;
	s22 =	sadd.s32 $0x40, s1  }
0x185: {  	[hbm4b:s22+s3] =	stream.linear.scatter [tilespmem:s21], [sflag:s0], $0x80, $0x38;
	[tilespmem:$0x16C00] =	vst v63  }
0x186: {  	s19 =	sadd.s32 $0xF368, s31;
	s20 =	sadd.s32 $0x50, s1  }
0x187: {  	[hbm4b:s20+s3] =	stream.linear.scatter [tilespmem:s19], [sflag:s0], $0x80, $0x38;
	[tilespmem:$0x16C00] =	vst v63  }
0x188: {  	s21 =	sadd.s32 $0xF3F0, s31;
	s22 =	sadd.s32 $0x60, s1  }
0x189: {  	[hbm4b:s22+s3] =	stream.linear.scatter [tilespmem:s21], [sflag:s0], $0x80, $0x38;
	[tilespmem:$0x16C00] =	vst v63  }
0x18a: {  	s1 =	sadd.s32 $0x70, s1;
	s19 =	sadd.s32 $0xF478, s31  }
0x18b: {  	[hbm4b:s1+s3] =	stream.linear.scatter [tilespmem:s19], [sflag:s0], $0x80, $0x38;
	[tilespmem:$0x16C00] =	vst v63  }
0x18c: {  	s20 =	sadd.s32 $0xF500, s31;
	s1 =	sadd.s32 s18, s10  }
0x18d: {  	[hbm4b:s1+s3] =	stream.linear.scatter [tilespmem:s20], [sflag:s0], $0x80, $0x38;
	[tilespmem:$0x16C00] =	vst v63  }
0x18e: {  	s21 =	sadd.s32 $0xF588, s31;
	s22 =	sadd.s32 $0x10, s1  }
0x18f: {  	[hbm4b:s22+s3] =	stream.linear.scatter [tilespmem:s21], [sflag:s0], $0x80, $0x38;
	[tilespmem:$0x16C00] =	vst v63  }
0x190: {  	s19 =	sadd.s32 $0xF610, s31;
	s20 =	sadd.s32 $0x20, s1  }
0x191: {  	[hbm4b:s20+s3] =	stream.linear.scatter [tilespmem:s19], [sflag:s0], $0x80, $0x38;
	[tilespmem:$0x16C00] =	vst v63  }
0x192: {  	s21 =	sadd.s32 $0xF698, s31;
	s22 =	sadd.s32 $0x30, s1  }
0x193: {  	[hbm4b:s22+s3] =	stream.linear.scatter [tilespmem:s21], [sflag:s0], $0x80, $0x38;
	[tilespmem:$0x16C00] =	vst v63  }
0x194: {  	s19 =	sadd.s32 $0xF720, s31;
	s20 =	sadd.s32 $0x40, s1  }
0x195: {  	[hbm4b:s20+s3] =	stream.linear.scatter [tilespmem:s19], [sflag:s0], $0x80, $0x38;
	[tilespmem:$0x16C00] =	vst v63  }
0x196: {  	s21 =	sadd.s32 $0xF7A8, s31;
	s22 =	sadd.s32 $0x50, s1  }
0x197: {  	[hbm4b:s22+s3] =	stream.linear.scatter [tilespmem:s21], [sflag:s0], $0x80, $0x38;
	[tilespmem:$0x16C00] =	vst v63  }
0x198: {  	s19 =	sadd.s32 $0xF830, s31;
	s20 =	sadd.s32 $0x60, s1  }
0x199: {  	[hbm4b:s20+s3] =	stream.linear.scatter [tilespmem:s19], [sflag:s0], $0x80, $0x38;
	[tilespmem:$0x16C00] =	vst v63  }
0x19a: {  	s1 =	sadd.s32 $0x70, s1;
	s21 =	sadd.s32 $0xF8B8, s31  }
0x19b: {  	[hbm4b:s1+s3] =	stream.linear.scatter [tilespmem:s21], [sflag:s0], $0x80, $0x38;
	[tilespmem:$0x16C00] =	vst v63  }
0x19c: {  	s22 =	sadd.s32 $0xF940, s31;
	s1 =	sadd.s32 s18, s11  }
0x19d: {  	[hbm4b:s1+s3] =	stream.linear.scatter [tilespmem:s22], [sflag:s0], $0x80, $0x38;
	[tilespmem:$0x16C00] =	vst v63  }
0x19e: {  	s19 =	sadd.s32 $0xF9C8, s31;
	s20 =	sadd.s32 $0x10, s1  }
0x19f: {  	[hbm4b:s20+s3] =	stream.linear.scatter [tilespmem:s19], [sflag:s0], $0x80, $0x38;
	[tilespmem:$0x16C00] =	vst v63  }
0x1a0: {  	s21 =	sadd.s32 $0xFA50, s31;
	s22 =	sadd.s32 $0x20, s1  }
0x1a1: {  	[hbm4b:s22+s3] =	stream.linear.scatter [tilespmem:s21], [sflag:s0], $0x80, $0x38;
	[tilespmem:$0x16C00] =	vst v63  }
0x1a2: {  	s19 =	sadd.s32 $0xFAD8, s31;
	s20 =	sadd.s32 $0x30, s1  }
0x1a3: {  	[hbm4b:s20+s3] =	stream.linear.scatter [tilespmem:s19], [sflag:s0], $0x80, $0x38;
	[tilespmem:$0x16C00] =	vst v63  }
0x1a4: {  	s21 =	sadd.s32 $0xFB60, s31;
	s22 =	sadd.s32 $0x40, s1  }
0x1a5: {  	[hbm4b:s22+s3] =	stream.linear.scatter [tilespmem:s21], [sflag:s0], $0x80, $0x38;
	[tilespmem:$0x16C00] =	vst v63  }
0x1a6: {  	s19 =	sadd.s32 $0xFBE8, s31;
	s20 =	sadd.s32 $0x50, s1  }
0x1a7: {  	[hbm4b:s20+s3] =	stream.linear.scatter [tilespmem:s19], [sflag:s0], $0x80, $0x38;
	[tilespmem:$0x16C00] =	vst v63  }
0x1a8: {  	s21 =	sadd.s32 $0xFC70, s31;
	s22 =	sadd.s32 $0x60, s1  }
0x1a9: {  	[hbm4b:s22+s3] =	stream.linear.scatter [tilespmem:s21], [sflag:s0], $0x80, $0x38;
	[tilespmem:$0x16C00] =	vst v63  }
0x1aa: {  	s1 =	sadd.s32 $0x70, s1;
	s19 =	sadd.s32 $0xFCF8, s31  }
0x1ab: {  	[hbm4b:s1+s3] =	stream.linear.scatter [tilespmem:s19], [sflag:s0], $0x80, $0x38;
	[tilespmem:$0x16C00] =	vst v63  }
0x1ac: {  	s20 =	sadd.s32 $0xFD80, s31;
	s1 =	sadd.s32 s18, s12  }
0x1ad: {  	[hbm4b:s1+s3] =	stream.linear.scatter [tilespmem:s20], [sflag:s0], $0x80, $0x38;
	[tilespmem:$0x16C00] =	vst v63  }
0x1ae: {  	s21 =	sadd.s32 $0xFE08, s31;
	s22 =	sadd.s32 $0x10, s1  }
0x1af: {  	[hbm4b:s22+s3] =	stream.linear.scatter [tilespmem:s21], [sflag:s0], $0x80, $0x38;
	[tilespmem:$0x16C00] =	vst v63  }
0x1b0: {  	s19 =	sadd.s32 $0xFE90, s31;
	s20 =	sadd.s32 $0x20, s1  }
0x1b1: {  	[hbm4b:s20+s3] =	stream.linear.scatter [tilespmem:s19], [sflag:s0], $0x80, $0x38;
	[tilespmem:$0x16C00] =	vst v63  }
0x1b2: {  	s21 =	sadd.s32 $0xFF18, s31;
	s22 =	sadd.s32 $0x30, s1  }
0x1b3: {  	[hbm4b:s22+s3] =	stream.linear.scatter [tilespmem:s21], [sflag:s0], $0x80, $0x38;
	[tilespmem:$0x16C00] =	vst v63  }
0x1b4: {  	s19 =	sadd.s32 $0xFFA0, s31;
	s20 =	sadd.s32 $0x40, s1  }
0x1b5: {  	[hbm4b:s20+s3] =	stream.linear.scatter [tilespmem:s19], [sflag:s0], $0x80, $0x38;
	[tilespmem:$0x16C00] =	vst v63  }
0x1b6: {  	s21 =	sadd.s32 $0x10028, s31;
	s22 =	sadd.s32 $0x50, s1  }
0x1b7: {  	[hbm4b:s22+s3] =	stream.linear.scatter [tilespmem:s21], [sflag:s0], $0x80, $0x38;
	[tilespmem:$0x16C00] =	vst v63  }
0x1b8: {  	s20 =	sadd.s32 $0x100B0, s31;
	s21 =	sadd.s32 $0x60, s1  }
0x1b9: {  	[hbm4b:s21+s3] =	stream.linear.scatter [tilespmem:s20], [sflag:s0], $0x80, $0x38;
	[tilespmem:$0x16C00] =	vst v63  }
0x1ba: {  	s22 =	sadd.s32 $0x10138, s31;
	s1 =	sadd.s32 $0x70, s1  }
0x1bb: {  	[hbm4b:s1+s3] =	stream.linear.scatter [tilespmem:s22], [sflag:s0], $0x80, $0x38;
	[tilespmem:$0x16C00] =	vst v63  }
0x1bc: {  	s19 =	sadd.s32 $0x101C0, s31;
	s1 =	sadd.s32 s18, s13  }
0x1bd: {  	[hbm4b:s1+s3] =	stream.linear.scatter [tilespmem:s19], [sflag:s0], $0x80, $0x38;
	[tilespmem:$0x16C00] =	vst v63  }
0x1be: {  	s20 =	sadd.s32 $0x10248, s31;
	s18 =	sadd.s32 $0x10, s1  }
0x1bf: {  	[hbm4b:s18+s3] =	stream.linear.scatter [tilespmem:s20], [sflag:s0], $0x80, $0x38;
	[tilespmem:$0x16C00] =	vst v63  }
0x1c0: {  	s21 =	sadd.s32 $0x102D0, s31;
	s22 =	sadd.s32 $0x20, s1  }
0x1c1: {  	[hbm4b:s22+s3] =	stream.linear.scatter [tilespmem:s21], [sflag:s0], $0x80, $0x38;
	[tilespmem:$0x16C00] =	vst v63  }
0x1c2: {  	s19 =	sadd.s32 $0x10358, s31;
	s20 =	sadd.s32 $0x30, s1  }
0x1c3: {  	[hbm4b:s20+s3] =	stream.linear.scatter [tilespmem:s19], [sflag:s0], $0x80, $0x38;
	[tilespmem:$0x16C00] =	vst v63  }
0x1c4: {  	s30 =	sadd.s32 $0x1, s30;
	s21 =	sadd.s32 $0x103E0, s31;
	s22 =	sadd.s32 $0x40, s1  }
0x1c5: {  	[hbm4b:s22+s3] =	stream.linear.scatter [tilespmem:s21], [sflag:s0], $0x80, $0x38;
	[tilespmem:$0x16C00] =	vst v63  }
0x1c6: {  	p0 =	sne.s32 s30, $0xC8;
	s19 =	sadd.s32 $0x10468, s31;
	s20 =	sadd.s32 $0x50, s1  }
0x1c7: {  	[hbm4b:s20+s3] =	stream.linear.scatter [tilespmem:s19], [sflag:s0], $0x80, $0x38;
	[tilespmem:$0x16C00] =	vst v63  }
.Ltmp1:
0x1c8: {  	_ = 	snop;
	(pc) =	sbr.rel @p0 .LBB2_2-.Ltmp1, $4  }
0x1c9: {  	s21 =	sadd.s32 $0x104F0, s31;
	s22 =	sadd.s32 $0x60, s1  }
0x1ca: {  	[hbm4b:s22+s3] =	stream.linear.scatter [tilespmem:s21], [sflag:s0], $0x80, $0x38;
	[tilespmem:$0x16C00] =	vst v63  }
0x1cb: {  	s29 =	sadd.s32 $0x1, s29;
	s31 =	sadd.s32 $0x10578, s31;
	s1 =	sadd.s32 $0x70, s1  }
0x1cc: {  	[hbm4b:s1+s3] =	stream.linear.scatter [tilespmem:s31], [sflag:s0], $0x80, $0x38;
	[tilespmem:$0x16C00] =	vst v63  }
0x1cd: {  	_ =	swait.ge [sflag:s23], $0x2000  }
0x1ce: {  	[sflag:s23] =	ssyncset.done $0x0  }
0x1cf: {  	[sflag:s23] =	ssyncadd.s32 $0xFFFFE000  }
0x1d0: {  	_ =	swait.ge [sflag:s24], $0x2000  }
0x1d1: {  	[sflag:s24] =	ssyncset.done $0x0  }
0x1d2: {  	s28 =	sadd.s32 $0x1, s28;
	[sflag:s24] =	ssyncadd.s32 $0xFFFFE000  }
0x1d3: {  	p0 =	sne.s32 s28, s14;
	_ =	swait.ge [sflag:s25], $0x2000  }
.Ltmp2:
0x1d4: {  	[sflag:s25] =	ssyncset.done $0x0;
	(pc) =	sbr.rel @p0 .LBB2_1-.Ltmp2, $4  }
0x1d5: {  	[sflag:s25] =	ssyncadd.s32 $0xFFFFE000  }
0x1d6: {  	_ =	swait.ge [sflag:s26], $0x2000  }
0x1d7: {  	[sflag:s26] =	ssyncset.done $0x0  }
0x1d8: {  	[sflag:s26] =	ssyncadd.s32 $0xFFFFE000  }
0x1d9: {  	_ =	sfence.sel $0x180000  }
0x1da: {  	[bflag:$0x0] =	sbarrier.arrive $0xFFFF  }
0x1db: {  	_ =	strace $0x90000047  }
0x1dc: {  	s0 =	stileid.u32;
	[bflag:$0x2] =	sbarrier.arrive $0xFFFF  }
0x1dd: {  	p0 =	sne.s32 s0, $0x0;
	s0 =	rddreg [dreg:$0x2]  }
0x1de: {  	s0 =	sadd.s32 @!p0 $0x100000, s0  }
0x1df: {  	[sflag:s0] =	ssyncadd.tile.s32 @!p0 $0x1;
	_ =	shalt  }
.Lfunc_end2:
_tile_overlayer_lowered:
.L_overlay_start_2:
0x1e0: {  	(tag) =	ssettag $0x2  }
0x1e1: {  	s0 =	rddreg [dreg:$0x0];
	s2 =	stileid.u32  }
0x1e2: {  	s1 =	rddreg [dreg:$0x1];
	p0 =	sne.s32 s2, $0x0  }
0x1e3: {  	s3 =	rddreg [dreg:$0x2];
	[bflag:$0x3] =	sbarrier.arrive $0xFFFF;
	s2 =	simm.s32 @!p0 $0x1C09  }
0x1e4: {  	[timem:s3], [sflag:s2] =	dma.local @!p0 [hbm:s0], s1  }
0x1e5: {  	s0 =	simm.s32 @!p0 $0x9  }
0x1e6: {  	_ =	swait.ge @!p0 [sflag:s0], s1  }
0x1e7: {  	s1 =	ssub.s32 @!p0 $0x0, s1;
	[sflag:s0] =	ssyncset.done @!p0 $0x0  }
0x1e8: {  	[sflag:s0] =	ssyncadd.s32 @!p0 s1  }
0x1e9: {  	[bflag:$0x3] =	sbarrier.arrive $0xFFFF  }
0x1ea: {  	_ =	shalt  }

</sc_bundles>
